<compile_context>
chip_gen: v7x
topology: tpu7x:2x2x1
jax: 0.10.2.dev20260603
libtpu: 0.0.44.dev20260713+nightly
codegen_flags: <defaults>
</compile_context>

<pallas_src>
import jax
import jax.numpy as jnp
from jax import lax
from jax.experimental import pallas as pl
from jax.experimental.pallas import tpu as pltpu
from jax.experimental.pallas import tpu_sc as plsc


_CHUNK_ROWS = 32
_NSLOTS = 3


def _copy_body(table_hbm, out_hbm, buf_v, sem_in, sem_out):
    info = plsc.get_sparse_core_info()
    nw = info.num_cores * info.num_subcores
    wid = lax.axis_index("s") * info.num_cores + lax.axis_index("c")
    rows = table_hbm.shape[0] // nw
    nchunk = rows // _CHUNK_ROWS
    base = wid * rows

    def cin(j):
        return pltpu.make_async_copy(
            table_hbm.at[pl.ds(base + j * _CHUNK_ROWS, _CHUNK_ROWS)],
            buf_v.at[j % _NSLOTS], sem_in)

    def cout(j):
        return pltpu.make_async_copy(
            buf_v.at[j % _NSLOTS],
            out_hbm.at[pl.ds(base + j * _CHUNK_ROWS, _CHUNK_ROWS)], sem_out)

    outs = []
    for j in range(min(_NSLOTS, nchunk)):
        cin(j).start()
    for j in range(nchunk):
        cin(j).wait()
        c = cout(j)
        c.start()
        outs.append(c)
        k = j + 1
        if _NSLOTS <= k < nchunk:
            outs[k - _NSLOTS].wait()
            cin(k).start()
    for c in outs[-_NSLOTS:]:
        c.wait()


def kernel(inputs, table):
    seq_len = inputs.shape[1]
    assert seq_len == table.shape[0]
    mesh = plsc.VectorSubcoreMesh(core_axis_name="c", subcore_axis_name="s")
    out = pl.kernel(
        _copy_body,
        out_type=jax.ShapeDtypeStruct(table.shape, table.dtype),
        scratch_types=[
            pltpu.VMEM((_NSLOTS, _CHUNK_ROWS, table.shape[1]), table.dtype),
            pltpu.SemaphoreType.DMA,
            pltpu.SemaphoreType.DMA,
        ],
        mesh=mesh,
    )(table)
    return out[None]

# --- scband reference (transcript-rebuilt; emitter-appended) ---
"""Pipeline reference for scband-position-embedding-10041633538090 (READ-ONLY COPY).

The authoritative reference and input builder live on the scoring server;
editing this copy changes nothing except your own understanding.
"""

import jax, jax.numpy as jnp
import numpy as np

MAXLEN = 8192
HIDDEN = 1024
BATCH = 4
SEQ = 8192

def setup_inputs(seed: int = 0) -> dict:
    key = jax.random.key(seed)
    k1, k2 = jax.random.split(key)
    inputs = jax.random.randint(k1, (BATCH, SEQ), 0, MAXLEN, dtype=jnp.int64 if jax.config.jax_enable_x64 else jnp.int32)
    table = jax.random.normal(k2, (MAXLEN, HIDDEN), dtype=jnp.float32) * 0.02
    return {"inputs": inputs, "table": table}

def reference(inputs, table):
    # forward of PositionEmbedding: only inputs.shape[1] is used
    seq_len = inputs.shape[1]
    position_ids = jnp.arange(seq_len, dtype=jnp.int32)[None, :]  # [1, S]
    position_embeddings = jnp.take(table, position_ids, axis=0)    # [1, S, H]
    return position_embeddings

if __name__ == "__main__":
    import jax
    _d = setup_inputs()
    print(jax.jit(kernel)(*tuple(_d.values())))

</pallas_src>

<mosaic_0001>
#map = affine_map<(d0, d1) -> (0, 0)>
module attributes {stable_mosaic.version = 14 : i64} {
  func.func @_copy_body(%arg0: i32, %arg1: i32, %arg2: memref<8192x1024xf32, #tpu.memory_space<hbm>>, %arg3: memref<8192x1024xf32, #tpu.memory_space<hbm>>, %arg4: memref<3x32x1024xf32, #tpu.memory_space<vmem>>, %arg5: memref<!tpu.dma_semaphore, #tpu.memory_space<semaphore_mem>>, %arg6: memref<!tpu.dma_semaphore, #tpu.memory_space<semaphore_mem>>) attributes {dimension_semantics = [#tpu.dimension_semantics<core_parallel>, #tpu.dimension_semantics<subcore_parallel>], iteration_bounds = array<i64: 2, 16>, scalar_prefetch = 0 : i64, scratch_operands = 3 : i64, tpu.core_type = #tpu.core_type<sc_vector_subcore>, window_params = [{transform_indices = #map}, {transform_indices = #map}]} {
    %mul3A = arith.constant 2 : i32
    %mul3A_0 = arith.muli %arg1, %mul3A : i32
    %add3A = arith.addi %mul3A_0, %arg0 : i32
    %mul3A_1 = arith.constant 256 : i32
    %mul3A_2 = arith.muli %add3A, %mul3A_1 : i32
    %add3A_3 = arith.constant 0 : i32
    %add3A_4 = arith.addi %mul3A_2, %add3A_3 : i32
    %dma_start3A = arith.constant 0 : i32
    %dma_start3A_5 = arith.constant 0 : i32
    %dma_start3A_6 = arith.constant 0 : i32
    %dma_start3A_7 = tpu.memref_slice %arg4[%dma_start3A, %dma_start3A_5, %dma_start3A_6] : memref<3x32x1024xf32, #tpu.memory_space<vmem>> -> memref<1x32x1024xf32, #tpu.memory_space<vmem>>
    %dma_start3A_8 = tpu.memref_squeeze %dma_start3A_7 : memref<1x32x1024xf32, #tpu.memory_space<vmem>> -> memref<32x1024xf32, #tpu.memory_space<vmem>>
    %dma_start3A_9 = arith.constant 0 : i32
    %dma_start3A_10 = tpu.memref_slice %arg2[%add3A_4, %dma_start3A_9] : memref<8192x1024xf32, #tpu.memory_space<hbm>> -> memref<32x1024xf32, #tpu.memory_space<hbm>>
    %dma_start3A_11 = arith.constant 0 : i32
    %dma_start3A_12 = arith.constant 0 : i32
    %dma_start3A_13 = tpu.memref_slice %arg4[%dma_start3A, %dma_start3A_11, %dma_start3A_12] : memref<3x32x1024xf32, #tpu.memory_space<vmem>> -> memref<1x32x1024xf32, #tpu.memory_space<vmem>>
    %dma_start3A_14 = tpu.memref_squeeze %dma_start3A_13 : memref<1x32x1024xf32, #tpu.memory_space<vmem>> -> memref<32x1024xf32, #tpu.memory_space<vmem>>
    %dma_start3A_15 = arith.constant 0 : i32
    %dma_start3A_16 = tpu.memref_slice %arg2[%add3A_4, %dma_start3A_15] : memref<8192x1024xf32, #tpu.memory_space<hbm>> -> memref<32x1024xf32, #tpu.memory_space<hbm>>
    tpu.enqueue_dma source(%dma_start3A_16 : memref<32x1024xf32, #tpu.memory_space<hbm>>) target(%dma_start3A_14 : memref<32x1024xf32, #tpu.memory_space<vmem>>) target_semaphore(%arg5 : memref<!tpu.dma_semaphore, #tpu.memory_space<semaphore_mem>>)
    %add3A_17 = arith.constant 32 : i32
    %add3A_18 = arith.addi %mul3A_2, %add3A_17 : i32
    %dma_start3A_19 = arith.constant 1 : i32
    %dma_start3A_20 = arith.constant 0 : i32
    %dma_start3A_21 = arith.constant 0 : i32
    %dma_start3A_22 = tpu.memref_slice %arg4[%dma_start3A_19, %dma_start3A_20, %dma_start3A_21] : memref<3x32x1024xf32, #tpu.memory_space<vmem>> -> memref<1x32x1024xf32, #tpu.memory_space<vmem>>
    %dma_start3A_23 = tpu.memref_squeeze %dma_start3A_22 : memref<1x32x1024xf32, #tpu.memory_space<vmem>> -> memref<32x1024xf32, #tpu.memory_space<vmem>>
    %dma_start3A_24 = arith.constant 0 : i32
    %dma_start3A_25 = tpu.memref_slice %arg2[%add3A_18, %dma_start3A_24] : memref<8192x1024xf32, #tpu.memory_space<hbm>> -> memref<32x1024xf32, #tpu.memory_space<hbm>>
    %dma_start3A_26 = arith.constant 0 : i32
    %dma_start3A_27 = arith.constant 0 : i32
    %dma_start3A_28 = tpu.memref_slice %arg4[%dma_start3A_19, %dma_start3A_26, %dma_start3A_27] : memref<3x32x1024xf32, #tpu.memory_space<vmem>> -> memref<1x32x1024xf32, #tpu.memory_space<vmem>>
    %dma_start3A_29 = tpu.memref_squeeze %dma_start3A_28 : memref<1x32x1024xf32, #tpu.memory_space<vmem>> -> memref<32x1024xf32, #tpu.memory_space<vmem>>
    %dma_start3A_30 = arith.constant 0 : i32
    %dma_start3A_31 = tpu.memref_slice %arg2[%add3A_18, %dma_start3A_30] : memref<8192x1024xf32, #tpu.memory_space<hbm>> -> memref<32x1024xf32, #tpu.memory_space<hbm>>
    tpu.enqueue_dma source(%dma_start3A_31 : memref<32x1024xf32, #tpu.memory_space<hbm>>) target(%dma_start3A_29 : memref<32x1024xf32, #tpu.memory_space<vmem>>) target_semaphore(%arg5 : memref<!tpu.dma_semaphore, #tpu.memory_space<semaphore_mem>>)
    %add3A_32 = arith.constant 64 : i32
    %add3A_33 = arith.addi %mul3A_2, %add3A_32 : i32
    %dma_start3A_34 = arith.constant 2 : i32
    %dma_start3A_35 = arith.constant 0 : i32
    %dma_start3A_36 = arith.constant 0 : i32
    %dma_start3A_37 = tpu.memref_slice %arg4[%dma_start3A_34, %dma_start3A_35, %dma_start3A_36] : memref<3x32x1024xf32, #tpu.memory_space<vmem>> -> memref<1x32x1024xf32, #tpu.memory_space<vmem>>
    %dma_start3A_38 = tpu.memref_squeeze %dma_start3A_37 : memref<1x32x1024xf32, #tpu.memory_space<vmem>> -> memref<32x1024xf32, #tpu.memory_space<vmem>>
    %dma_start3A_39 = arith.constant 0 : i32
    %dma_start3A_40 = tpu.memref_slice %arg2[%add3A_33, %dma_start3A_39] : memref<8192x1024xf32, #tpu.memory_space<hbm>> -> memref<32x1024xf32, #tpu.memory_space<hbm>>
    %dma_start3A_41 = arith.constant 0 : i32
    %dma_start3A_42 = arith.constant 0 : i32
    %dma_start3A_43 = tpu.memref_slice %arg4[%dma_start3A_34, %dma_start3A_41, %dma_start3A_42] : memref<3x32x1024xf32, #tpu.memory_space<vmem>> -> memref<1x32x1024xf32, #tpu.memory_space<vmem>>
    %dma_start3A_44 = tpu.memref_squeeze %dma_start3A_43 : memref<1x32x1024xf32, #tpu.memory_space<vmem>> -> memref<32x1024xf32, #tpu.memory_space<vmem>>
    %dma_start3A_45 = arith.constant 0 : i32
    %dma_start3A_46 = tpu.memref_slice %arg2[%add3A_33, %dma_start3A_45] : memref<8192x1024xf32, #tpu.memory_space<hbm>> -> memref<32x1024xf32, #tpu.memory_space<hbm>>
    tpu.enqueue_dma source(%dma_start3A_46 : memref<32x1024xf32, #tpu.memory_space<hbm>>) target(%dma_start3A_44 : memref<32x1024xf32, #tpu.memory_space<vmem>>) target_semaphore(%arg5 : memref<!tpu.dma_semaphore, #tpu.memory_space<semaphore_mem>>)
    %add3A_47 = arith.constant 0 : i32
    %add3A_48 = arith.addi %mul3A_2, %add3A_47 : i32
    %dma_wait3A = arith.constant 0 : i32
    %dma_wait3A_49 = arith.constant 0 : i32
    %dma_wait3A_50 = arith.constant 0 : i32
    %dma_wait3A_51 = tpu.memref_slice %arg4[%dma_wait3A, %dma_wait3A_49, %dma_wait3A_50] : memref<3x32x1024xf32, #tpu.memory_space<vmem>> -> memref<1x32x1024xf32, #tpu.memory_space<vmem>>
    %dma_wait3A_52 = tpu.memref_squeeze %dma_wait3A_51 : memref<1x32x1024xf32, #tpu.memory_space<vmem>> -> memref<32x1024xf32, #tpu.memory_space<vmem>>
    %dma_wait3A_53 = arith.constant 0 : i32
    %dma_wait3A_54 = tpu.memref_slice %arg2[%add3A_48, %dma_wait3A_53] : memref<8192x1024xf32, #tpu.memory_space<hbm>> -> memref<32x1024xf32, #tpu.memory_space<hbm>>
    %dma_wait3A_55 = arith.constant 0 : i32
    %dma_wait3A_56 = arith.constant 0 : i32
    %dma_wait3A_57 = tpu.memref_slice %arg4[%dma_wait3A, %dma_wait3A_55, %dma_wait3A_56] : memref<3x32x1024xf32, #tpu.memory_space<vmem>> -> memref<1x32x1024xf32, #tpu.memory_space<vmem>>
    %dma_wait3A_58 = tpu.memref_squeeze %dma_wait3A_57 : memref<1x32x1024xf32, #tpu.memory_space<vmem>> -> memref<32x1024xf32, #tpu.memory_space<vmem>>
    %dma_wait3A_59 = arith.constant 0 : i32
    %dma_wait3A_60 = tpu.memref_slice %arg2[%add3A_48, %dma_wait3A_59] : memref<8192x1024xf32, #tpu.memory_space<hbm>> -> memref<32x1024xf32, #tpu.memory_space<hbm>>
    tpu.wait_dma2 semaphore(%arg5 : memref<!tpu.dma_semaphore, #tpu.memory_space<semaphore_mem>>) src(%dma_wait3A_60 : memref<32x1024xf32, #tpu.memory_space<hbm>>) dst(%dma_wait3A_58 : memref<32x1024xf32, #tpu.memory_space<vmem>>)
    %add3A_61 = arith.constant 0 : i32
    %add3A_62 = arith.addi %mul3A_2, %add3A_61 : i32
    %dma_start3A_63 = arith.constant 0 : i32
    %dma_start3A_64 = arith.constant 0 : i32
    %dma_start3A_65 = arith.constant 0 : i32
    %dma_start3A_66 = tpu.memref_slice %arg4[%dma_start3A_63, %dma_start3A_64, %dma_start3A_65] : memref<3x32x1024xf32, #tpu.memory_space<vmem>> -> memref<1x32x1024xf32, #tpu.memory_space<vmem>>
    %dma_start3A_67 = tpu.memref_squeeze %dma_start3A_66 : memref<1x32x1024xf32, #tpu.memory_space<vmem>> -> memref<32x1024xf32, #tpu.memory_space<vmem>>
    %dma_start3A_68 = arith.constant 0 : i32
    %dma_start3A_69 = tpu.memref_slice %arg3[%add3A_62, %dma_start3A_68] : memref<8192x1024xf32, #tpu.memory_space<hbm>> -> memref<32x1024xf32, #tpu.memory_space<hbm>>
    %dma_start3A_70 = arith.constant 0 : i32
    %dma_start3A_71 = tpu.memref_slice %arg3[%add3A_62, %dma_start3A_70] : memref<8192x1024xf32, #tpu.memory_space<hbm>> -> memref<32x1024xf32, #tpu.memory_space<hbm>>
    %dma_start3A_72 = arith.constant 0 : i32
    %dma_start3A_73 = arith.constant 0 : i32
    %dma_start3A_74 = tpu.memref_slice %arg4[%dma_start3A_63, %dma_start3A_72, %dma_start3A_73] : memref<3x32x1024xf32, #tpu.memory_space<vmem>> -> memref<1x32x1024xf32, #tpu.memory_space<vmem>>
    %dma_start3A_75 = tpu.memref_squeeze %dma_start3A_74 : memref<1x32x1024xf32, #tpu.memory_space<vmem>> -> memref<32x1024xf32, #tpu.memory_space<vmem>>
    tpu.enqueue_dma source(%dma_start3A_75 : memref<32x1024xf32, #tpu.memory_space<vmem>>) target(%dma_start3A_71 : memref<32x1024xf32, #tpu.memory_space<hbm>>) target_semaphore(%arg6 : memref<!tpu.dma_semaphore, #tpu.memory_space<semaphore_mem>>)
    %add3A_76 = arith.constant 32 : i32
    %add3A_77 = arith.addi %mul3A_2, %add3A_76 : i32
    %dma_wait3A_78 = arith.constant 1 : i32
    %dma_wait3A_79 = arith.constant 0 : i32
    %dma_wait3A_80 = arith.constant 0 : i32
    %dma_wait3A_81 = tpu.memref_slice %arg4[%dma_wait3A_78, %dma_wait3A_79, %dma_wait3A_80] : memref<3x32x1024xf32, #tpu.memory_space<vmem>> -> memref<1x32x1024xf32, #tpu.memory_space<vmem>>
    %dma_wait3A_82 = tpu.memref_squeeze %dma_wait3A_81 : memref<1x32x1024xf32, #tpu.memory_space<vmem>> -> memref<32x1024xf32, #tpu.memory_space<vmem>>
    %dma_wait3A_83 = arith.constant 0 : i32
    %dma_wait3A_84 = tpu.memref_slice %arg2[%add3A_77, %dma_wait3A_83] : memref<8192x1024xf32, #tpu.memory_space<hbm>> -> memref<32x1024xf32, #tpu.memory_space<hbm>>
    %dma_wait3A_85 = arith.constant 0 : i32
    %dma_wait3A_86 = arith.constant 0 : i32
    %dma_wait3A_87 = tpu.memref_slice %arg4[%dma_wait3A_78, %dma_wait3A_85, %dma_wait3A_86] : memref<3x32x1024xf32, #tpu.memory_space<vmem>> -> memref<1x32x1024xf32, #tpu.memory_space<vmem>>
    %dma_wait3A_88 = tpu.memref_squeeze %dma_wait3A_87 : memref<1x32x1024xf32, #tpu.memory_space<vmem>> -> memref<32x1024xf32, #tpu.memory_space<vmem>>
    %dma_wait3A_89 = arith.constant 0 : i32
    %dma_wait3A_90 = tpu.memref_slice %arg2[%add3A_77, %dma_wait3A_89] : memref<8192x1024xf32, #tpu.memory_space<hbm>> -> memref<32x1024xf32, #tpu.memory_space<hbm>>
    tpu.wait_dma2 semaphore(%arg5 : memref<!tpu.dma_semaphore, #tpu.memory_space<semaphore_mem>>) src(%dma_wait3A_90 : memref<32x1024xf32, #tpu.memory_space<hbm>>) dst(%dma_wait3A_88 : memref<32x1024xf32, #tpu.memory_space<vmem>>)
    %add3A_91 = arith.constant 32 : i32
    %add3A_92 = arith.addi %mul3A_2, %add3A_91 : i32
    %dma_start3A_93 = arith.constant 1 : i32
    %dma_start3A_94 = arith.constant 0 : i32
    %dma_start3A_95 = arith.constant 0 : i32
    %dma_start3A_96 = tpu.memref_slice %arg4[%dma_start3A_93, %dma_start3A_94, %dma_start3A_95] : memref<3x32x1024xf32, #tpu.memory_space<vmem>> -> memref<1x32x1024xf32, #tpu.memory_space<vmem>>
    %dma_start3A_97 = tpu.memref_squeeze %dma_start3A_96 : memref<1x32x1024xf32, #tpu.memory_space<vmem>> -> memref<32x1024xf32, #tpu.memory_space<vmem>>
    %dma_start3A_98 = arith.constant 0 : i32
    %dma_start3A_99 = tpu.memref_slice %arg3[%add3A_92, %dma_start3A_98] : memref<8192x1024xf32, #tpu.memory_space<hbm>> -> memref<32x1024xf32, #tpu.memory_space<hbm>>
    %dma_start3A_100 = arith.constant 0 : i32
    %dma_start3A_101 = tpu.memref_slice %arg3[%add3A_92, %dma_start3A_100] : memref<8192x1024xf32, #tpu.memory_space<hbm>> -> memref<32x1024xf32, #tpu.memory_space<hbm>>
    %dma_start3A_102 = arith.constant 0 : i32
    %dma_start3A_103 = arith.constant 0 : i32
    %dma_start3A_104 = tpu.memref_slice %arg4[%dma_start3A_93, %dma_start3A_102, %dma_start3A_103] : memref<3x32x1024xf32, #tpu.memory_space<vmem>> -> memref<1x32x1024xf32, #tpu.memory_space<vmem>>
    %dma_start3A_105 = tpu.memref_squeeze %dma_start3A_104 : memref<1x32x1024xf32, #tpu.memory_space<vmem>> -> memref<32x1024xf32, #tpu.memory_space<vmem>>
    tpu.enqueue_dma source(%dma_start3A_105 : memref<32x1024xf32, #tpu.memory_space<vmem>>) target(%dma_start3A_101 : memref<32x1024xf32, #tpu.memory_space<hbm>>) target_semaphore(%arg6 : memref<!tpu.dma_semaphore, #tpu.memory_space<semaphore_mem>>)
    %add3A_106 = arith.constant 64 : i32
    %add3A_107 = arith.addi %mul3A_2, %add3A_106 : i32
    %dma_wait3A_108 = arith.constant 2 : i32
    %dma_wait3A_109 = arith.constant 0 : i32
    %dma_wait3A_110 = arith.constant 0 : i32
    %dma_wait3A_111 = tpu.memref_slice %arg4[%dma_wait3A_108, %dma_wait3A_109, %dma_wait3A_110] : memref<3x32x1024xf32, #tpu.memory_space<vmem>> -> memref<1x32x1024xf32, #tpu.memory_space<vmem>>
    %dma_wait3A_112 = tpu.memref_squeeze %dma_wait3A_111 : memref<1x32x1024xf32, #tpu.memory_space<vmem>> -> memref<32x1024xf32, #tpu.memory_space<vmem>>
    %dma_wait3A_113 = arith.constant 0 : i32
    %dma_wait3A_114 = tpu.memref_slice %arg2[%add3A_107, %dma_wait3A_113] : memref<8192x1024xf32, #tpu.memory_space<hbm>> -> memref<32x1024xf32, #tpu.memory_space<hbm>>
    %dma_wait3A_115 = arith.constant 0 : i32
    %dma_wait3A_116 = arith.constant 0 : i32
    %dma_wait3A_117 = tpu.memref_slice %arg4[%dma_wait3A_108, %dma_wait3A_115, %dma_wait3A_116] : memref<3x32x1024xf32, #tpu.memory_space<vmem>> -> memref<1x32x1024xf32, #tpu.memory_space<vmem>>
    %dma_wait3A_118 = tpu.memref_squeeze %dma_wait3A_117 : memref<1x32x1024xf32, #tpu.memory_space<vmem>> -> memref<32x1024xf32, #tpu.memory_space<vmem>>
    %dma_wait3A_119 = arith.constant 0 : i32
    %dma_wait3A_120 = tpu.memref_slice %arg2[%add3A_107, %dma_wait3A_119] : memref<8192x1024xf32, #tpu.memory_space<hbm>> -> memref<32x1024xf32, #tpu.memory_space<hbm>>
    tpu.wait_dma2 semaphore(%arg5 : memref<!tpu.dma_semaphore, #tpu.memory_space<semaphore_mem>>) src(%dma_wait3A_120 : memref<32x1024xf32, #tpu.memory_space<hbm>>) dst(%dma_wait3A_118 : memref<32x1024xf32, #tpu.memory_space<vmem>>)
    %add3A_121 = arith.constant 64 : i32
    %add3A_122 = arith.addi %mul3A_2, %add3A_121 : i32
    %dma_start3A_123 = arith.constant 2 : i32
    %dma_start3A_124 = arith.constant 0 : i32
    %dma_start3A_125 = arith.constant 0 : i32
    %dma_start3A_126 = tpu.memref_slice %arg4[%dma_start3A_123, %dma_start3A_124, %dma_start3A_125] : memref<3x32x1024xf32, #tpu.memory_space<vmem>> -> memref<1x32x1024xf32, #tpu.memory_space<vmem>>
    %dma_start3A_127 = tpu.memref_squeeze %dma_start3A_126 : memref<1x32x1024xf32, #tpu.memory_space<vmem>> -> memref<32x1024xf32, #tpu.memory_space<vmem>>
    %dma_start3A_128 = arith.constant 0 : i32
    %dma_start3A_129 = tpu.memref_slice %arg3[%add3A_122, %dma_start3A_128] : memref<8192x1024xf32, #tpu.memory_space<hbm>> -> memref<32x1024xf32, #tpu.memory_space<hbm>>
    %dma_start3A_130 = arith.constant 0 : i32
    %dma_start3A_131 = tpu.memref_slice %arg3[%add3A_122, %dma_start3A_130] : memref<8192x1024xf32, #tpu.memory_space<hbm>> -> memref<32x1024xf32, #tpu.memory_space<hbm>>
    %dma_start3A_132 = arith.constant 0 : i32
    %dma_start3A_133 = arith.constant 0 : i32
    %dma_start3A_134 = tpu.memref_slice %arg4[%dma_start3A_123, %dma_start3A_132, %dma_start3A_133] : memref<3x32x1024xf32, #tpu.memory_space<vmem>> -> memref<1x32x1024xf32, #tpu.memory_space<vmem>>
    %dma_start3A_135 = tpu.memref_squeeze %dma_start3A_134 : memref<1x32x1024xf32, #tpu.memory_space<vmem>> -> memref<32x1024xf32, #tpu.memory_space<vmem>>
    tpu.enqueue_dma source(%dma_start3A_135 : memref<32x1024xf32, #tpu.memory_space<vmem>>) target(%dma_start3A_131 : memref<32x1024xf32, #tpu.memory_space<hbm>>) target_semaphore(%arg6 : memref<!tpu.dma_semaphore, #tpu.memory_space<semaphore_mem>>)
    %dma_wait3A_136 = arith.constant 0 : i32
    %dma_wait3A_137 = arith.constant 0 : i32
    %dma_wait3A_138 = arith.constant 0 : i32
    %dma_wait3A_139 = tpu.memref_slice %arg4[%dma_wait3A_136, %dma_wait3A_137, %dma_wait3A_138] : memref<3x32x1024xf32, #tpu.memory_space<vmem>> -> memref<1x32x1024xf32, #tpu.memory_space<vmem>>
    %dma_wait3A_140 = tpu.memref_squeeze %dma_wait3A_139 : memref<1x32x1024xf32, #tpu.memory_space<vmem>> -> memref<32x1024xf32, #tpu.memory_space<vmem>>
    %dma_wait3A_141 = arith.constant 0 : i32
    %dma_wait3A_142 = tpu.memref_slice %arg3[%add3A_62, %dma_wait3A_141] : memref<8192x1024xf32, #tpu.memory_space<hbm>> -> memref<32x1024xf32, #tpu.memory_space<hbm>>
    %dma_wait3A_143 = arith.constant 0 : i32
    %dma_wait3A_144 = tpu.memref_slice %arg3[%add3A_62, %dma_wait3A_143] : memref<8192x1024xf32, #tpu.memory_space<hbm>> -> memref<32x1024xf32, #tpu.memory_space<hbm>>
    %dma_wait3A_145 = arith.constant 0 : i32
    %dma_wait3A_146 = arith.constant 0 : i32
    %dma_wait3A_147 = tpu.memref_slice %arg4[%dma_wait3A_136, %dma_wait3A_145, %dma_wait3A_146] : memref<3x32x1024xf32, #tpu.memory_space<vmem>> -> memref<1x32x1024xf32, #tpu.memory_space<vmem>>
    %dma_wait3A_148 = tpu.memref_squeeze %dma_wait3A_147 : memref<1x32x1024xf32, #tpu.memory_space<vmem>> -> memref<32x1024xf32, #tpu.memory_space<vmem>>
    tpu.wait_dma2 semaphore(%arg6 : memref<!tpu.dma_semaphore, #tpu.memory_space<semaphore_mem>>) src(%dma_wait3A_148 : memref<32x1024xf32, #tpu.memory_space<vmem>>) dst(%dma_wait3A_144 : memref<32x1024xf32, #tpu.memory_space<hbm>>)
    %add3A_149 = arith.constant 96 : i32
    %add3A_150 = arith.addi %mul3A_2, %add3A_149 : i32
    %dma_start3A_151 = arith.constant 0 : i32
    %dma_start3A_152 = arith.constant 0 : i32
    %dma_start3A_153 = arith.constant 0 : i32
    %dma_start3A_154 = tpu.memref_slice %arg4[%dma_start3A_151, %dma_start3A_152, %dma_start3A_153] : memref<3x32x1024xf32, #tpu.memory_space<vmem>> -> memref<1x32x1024xf32, #tpu.memory_space<vmem>>
    %dma_start3A_155 = tpu.memref_squeeze %dma_start3A_154 : memref<1x32x1024xf32, #tpu.memory_space<vmem>> -> memref<32x1024xf32, #tpu.memory_space<vmem>>
    %dma_start3A_156 = arith.constant 0 : i32
    %dma_start3A_157 = tpu.memref_slice %arg2[%add3A_150, %dma_start3A_156] : memref<8192x1024xf32, #tpu.memory_space<hbm>> -> memref<32x1024xf32, #tpu.memory_space<hbm>>
    %dma_start3A_158 = arith.constant 0 : i32
    %dma_start3A_159 = arith.constant 0 : i32
    %dma_start3A_160 = tpu.memref_slice %arg4[%dma_start3A_151, %dma_start3A_158, %dma_start3A_159] : memref<3x32x1024xf32, #tpu.memory_space<vmem>> -> memref<1x32x1024xf32, #tpu.memory_space<vmem>>
    %dma_start3A_161 = tpu.memref_squeeze %dma_start3A_160 : memref<1x32x1024xf32, #tpu.memory_space<vmem>> -> memref<32x1024xf32, #tpu.memory_space<vmem>>
    %dma_start3A_162 = arith.constant 0 : i32
    %dma_start3A_163 = tpu.memref_slice %arg2[%add3A_150, %dma_start3A_162] : memref<8192x1024xf32, #tpu.memory_space<hbm>> -> memref<32x1024xf32, #tpu.memory_space<hbm>>
    tpu.enqueue_dma source(%dma_start3A_163 : memref<32x1024xf32, #tpu.memory_space<hbm>>) target(%dma_start3A_161 : memref<32x1024xf32, #tpu.memory_space<vmem>>) target_semaphore(%arg5 : memref<!tpu.dma_semaphore, #tpu.memory_space<semaphore_mem>>)
    %add3A_164 = arith.constant 96 : i32
    %add3A_165 = arith.addi %mul3A_2, %add3A_164 : i32
    %dma_wait3A_166 = arith.constant 0 : i32
    %dma_wait3A_167 = arith.constant 0 : i32
    %dma_wait3A_168 = arith.constant 0 : i32
    %dma_wait3A_169 = tpu.memref_slice %arg4[%dma_wait3A_166, %dma_wait3A_167, %dma_wait3A_168] : memref<3x32x1024xf32, #tpu.memory_space<vmem>> -> memref<1x32x1024xf32, #tpu.memory_space<vmem>>
    %dma_wait3A_170 = tpu.memref_squeeze %dma_wait3A_169 : memref<1x32x1024xf32, #tpu.memory_space<vmem>> -> memref<32x1024xf32, #tpu.memory_space<vmem>>
    %dma_wait3A_171 = arith.constant 0 : i32
    %dma_wait3A_172 = tpu.memref_slice %arg2[%add3A_165, %dma_wait3A_171] : memref<8192x1024xf32, #tpu.memory_space<hbm>> -> memref<32x1024xf32, #tpu.memory_space<hbm>>
    %dma_wait3A_173 = arith.constant 0 : i32
    %dma_wait3A_174 = arith.constant 0 : i32
    %dma_wait3A_175 = tpu.memref_slice %arg4[%dma_wait3A_166, %dma_wait3A_173, %dma_wait3A_174] : memref<3x32x1024xf32, #tpu.memory_space<vmem>> -> memref<1x32x1024xf32, #tpu.memory_space<vmem>>
    %dma_wait3A_176 = tpu.memref_squeeze %dma_wait3A_175 : memref<1x32x1024xf32, #tpu.memory_space<vmem>> -> memref<32x1024xf32, #tpu.memory_space<vmem>>
    %dma_wait3A_177 = arith.constant 0 : i32
    %dma_wait3A_178 = tpu.memref_slice %arg2[%add3A_165, %dma_wait3A_177] : memref<8192x1024xf32, #tpu.memory_space<hbm>> -> memref<32x1024xf32, #tpu.memory_space<hbm>>
    tpu.wait_dma2 semaphore(%arg5 : memref<!tpu.dma_semaphore, #tpu.memory_space<semaphore_mem>>) src(%dma_wait3A_178 : memref<32x1024xf32, #tpu.memory_space<hbm>>) dst(%dma_wait3A_176 : memref<32x1024xf32, #tpu.memory_space<vmem>>)
    %add3A_179 = arith.constant 96 : i32
    %add3A_180 = arith.addi %mul3A_2, %add3A_179 : i32
    %dma_start3A_181 = arith.constant 0 : i32
    %dma_start3A_182 = arith.constant 0 : i32
    %dma_start3A_183 = arith.constant 0 : i32
    %dma_start3A_184 = tpu.memref_slice %arg4[%dma_start3A_181, %dma_start3A_182, %dma_start3A_183] : memref<3x32x1024xf32, #tpu.memory_space<vmem>> -> memref<1x32x1024xf32, #tpu.memory_space<vmem>>
    %dma_start3A_185 = tpu.memref_squeeze %dma_start3A_184 : memref<1x32x1024xf32, #tpu.memory_space<vmem>> -> memref<32x1024xf32, #tpu.memory_space<vmem>>
    %dma_start3A_186 = arith.constant 0 : i32
    %dma_start3A_187 = tpu.memref_slice %arg3[%add3A_180, %dma_start3A_186] : memref<8192x1024xf32, #tpu.memory_space<hbm>> -> memref<32x1024xf32, #tpu.memory_space<hbm>>
    %dma_start3A_188 = arith.constant 0 : i32
    %dma_start3A_189 = tpu.memref_slice %arg3[%add3A_180, %dma_start3A_188] : memref<8192x1024xf32, #tpu.memory_space<hbm>> -> memref<32x1024xf32, #tpu.memory_space<hbm>>
    %dma_start3A_190 = arith.constant 0 : i32
    %dma_start3A_191 = arith.constant 0 : i32
    %dma_start3A_192 = tpu.memref_slice %arg4[%dma_start3A_181, %dma_start3A_190, %dma_start3A_191] : memref<3x32x1024xf32, #tpu.memory_space<vmem>> -> memref<1x32x1024xf32, #tpu.memory_space<vmem>>
    %dma_start3A_193 = tpu.memref_squeeze %dma_start3A_192 : memref<1x32x1024xf32, #tpu.memory_space<vmem>> -> memref<32x1024xf32, #tpu.memory_space<vmem>>
    tpu.enqueue_dma source(%dma_start3A_193 : memref<32x1024xf32, #tpu.memory_space<vmem>>) target(%dma_start3A_189 : memref<32x1024xf32, #tpu.memory_space<hbm>>) target_semaphore(%arg6 : memref<!tpu.dma_semaphore, #tpu.memory_space<semaphore_mem>>)
    %dma_wait3A_194 = arith.constant 1 : i32
    %dma_wait3A_195 = arith.constant 0 : i32
    %dma_wait3A_196 = arith.constant 0 : i32
    %dma_wait3A_197 = tpu.memref_slice %arg4[%dma_wait3A_194, %dma_wait3A_195, %dma_wait3A_196] : memref<3x32x1024xf32, #tpu.memory_space<vmem>> -> memref<1x32x1024xf32, #tpu.memory_space<vmem>>
    %dma_wait3A_198 = tpu.memref_squeeze %dma_wait3A_197 : memref<1x32x1024xf32, #tpu.memory_space<vmem>> -> memref<32x1024xf32, #tpu.memory_space<vmem>>
    %dma_wait3A_199 = arith.constant 0 : i32
    %dma_wait3A_200 = tpu.memref_slice %arg3[%add3A_92, %dma_wait3A_199] : memref<8192x1024xf32, #tpu.memory_space<hbm>> -> memref<32x1024xf32, #tpu.memory_space<hbm>>
    %dma_wait3A_201 = arith.constant 0 : i32
    %dma_wait3A_202 = tpu.memref_slice %arg3[%add3A_92, %dma_wait3A_201] : memref<8192x1024xf32, #tpu.memory_space<hbm>> -> memref<32x1024xf32, #tpu.memory_space<hbm>>
    %dma_wait3A_203 = arith.constant 0 : i32
    %dma_wait3A_204 = arith.constant 0 : i32
    %dma_wait3A_205 = tpu.memref_slice %arg4[%dma_wait3A_194, %dma_wait3A_203, %dma_wait3A_204] : memref<3x32x1024xf32, #tpu.memory_space<vmem>> -> memref<1x32x1024xf32, #tpu.memory_space<vmem>>
    %dma_wait3A_206 = tpu.memref_squeeze %dma_wait3A_205 : memref<1x32x1024xf32, #tpu.memory_space<vmem>> -> memref<32x1024xf32, #tpu.memory_space<vmem>>
    tpu.wait_dma2 semaphore(%arg6 : memref<!tpu.dma_semaphore, #tpu.memory_space<semaphore_mem>>) src(%dma_wait3A_206 : memref<32x1024xf32, #tpu.memory_space<vmem>>) dst(%dma_wait3A_202 : memref<32x1024xf32, #tpu.memory_space<hbm>>)
    %add3A_207 = arith.constant 128 : i32
    %add3A_208 = arith.addi %mul3A_2, %add3A_207 : i32
    %dma_start3A_209 = arith.constant 1 : i32
    %dma_start3A_210 = arith.constant 0 : i32
    %dma_start3A_211 = arith.constant 0 : i32
    %dma_start3A_212 = tpu.memref_slice %arg4[%dma_start3A_209, %dma_start3A_210, %dma_start3A_211] : memref<3x32x1024xf32, #tpu.memory_space<vmem>> -> memref<1x32x1024xf32, #tpu.memory_space<vmem>>
    %dma_start3A_213 = tpu.memref_squeeze %dma_start3A_212 : memref<1x32x1024xf32, #tpu.memory_space<vmem>> -> memref<32x1024xf32, #tpu.memory_space<vmem>>
    %dma_start3A_214 = arith.constant 0 : i32
    %dma_start3A_215 = tpu.memref_slice %arg2[%add3A_208, %dma_start3A_214] : memref<8192x1024xf32, #tpu.memory_space<hbm>> -> memref<32x1024xf32, #tpu.memory_space<hbm>>
    %dma_start3A_216 = arith.constant 0 : i32
    %dma_start3A_217 = arith.constant 0 : i32
    %dma_start3A_218 = tpu.memref_slice %arg4[%dma_start3A_209, %dma_start3A_216, %dma_start3A_217] : memref<3x32x1024xf32, #tpu.memory_space<vmem>> -> memref<1x32x1024xf32, #tpu.memory_space<vmem>>
    %dma_start3A_219 = tpu.memref_squeeze %dma_start3A_218 : memref<1x32x1024xf32, #tpu.memory_space<vmem>> -> memref<32x1024xf32, #tpu.memory_space<vmem>>
    %dma_start3A_220 = arith.constant 0 : i32
    %dma_start3A_221 = tpu.memref_slice %arg2[%add3A_208, %dma_start3A_220] : memref<8192x1024xf32, #tpu.memory_space<hbm>> -> memref<32x1024xf32, #tpu.memory_space<hbm>>
    tpu.enqueue_dma source(%dma_start3A_221 : memref<32x1024xf32, #tpu.memory_space<hbm>>) target(%dma_start3A_219 : memref<32x1024xf32, #tpu.memory_space<vmem>>) target_semaphore(%arg5 : memref<!tpu.dma_semaphore, #tpu.memory_space<semaphore_mem>>)
    %add3A_222 = arith.constant 128 : i32
    %add3A_223 = arith.addi %mul3A_2, %add3A_222 : i32
    %dma_wait3A_224 = arith.constant 1 : i32
    %dma_wait3A_225 = arith.constant 0 : i32
    %dma_wait3A_226 = arith.constant 0 : i32
    %dma_wait3A_227 = tpu.memref_slice %arg4[%dma_wait3A_224, %dma_wait3A_225, %dma_wait3A_226] : memref<3x32x1024xf32, #tpu.memory_space<vmem>> -> memref<1x32x1024xf32, #tpu.memory_space<vmem>>
    %dma_wait3A_228 = tpu.memref_squeeze %dma_wait3A_227 : memref<1x32x1024xf32, #tpu.memory_space<vmem>> -> memref<32x1024xf32, #tpu.memory_space<vmem>>
    %dma_wait3A_229 = arith.constant 0 : i32
    %dma_wait3A_230 = tpu.memref_slice %arg2[%add3A_223, %dma_wait3A_229] : memref<8192x1024xf32, #tpu.memory_space<hbm>> -> memref<32x1024xf32, #tpu.memory_space<hbm>>
    %dma_wait3A_231 = arith.constant 0 : i32
    %dma_wait3A_232 = arith.constant 0 : i32
    %dma_wait3A_233 = tpu.memref_slice %arg4[%dma_wait3A_224, %dma_wait3A_231, %dma_wait3A_232] : memref<3x32x1024xf32, #tpu.memory_space<vmem>> -> memref<1x32x1024xf32, #tpu.memory_space<vmem>>
    %dma_wait3A_234 = tpu.memref_squeeze %dma_wait3A_233 : memref<1x32x1024xf32, #tpu.memory_space<vmem>> -> memref<32x1024xf32, #tpu.memory_space<vmem>>
    %dma_wait3A_235 = arith.constant 0 : i32
    %dma_wait3A_236 = tpu.memref_slice %arg2[%add3A_223, %dma_wait3A_235] : memref<8192x1024xf32, #tpu.memory_space<hbm>> -> memref<32x1024xf32, #tpu.memory_space<hbm>>
    tpu.wait_dma2 semaphore(%arg5 : memref<!tpu.dma_semaphore, #tpu.memory_space<semaphore_mem>>) src(%dma_wait3A_236 : memref<32x1024xf32, #tpu.memory_space<hbm>>) dst(%dma_wait3A_234 : memref<32x1024xf32, #tpu.memory_space<vmem>>)
    %add3A_237 = arith.constant 128 : i32
    %add3A_238 = arith.addi %mul3A_2, %add3A_237 : i32
    %dma_start3A_239 = arith.constant 1 : i32
    %dma_start3A_240 = arith.constant 0 : i32
    %dma_start3A_241 = arith.constant 0 : i32
    %dma_start3A_242 = tpu.memref_slice %arg4[%dma_start3A_239, %dma_start3A_240, %dma_start3A_241] : memref<3x32x1024xf32, #tpu.memory_space<vmem>> -> memref<1x32x1024xf32, #tpu.memory_space<vmem>>
    %dma_start3A_243 = tpu.memref_squeeze %dma_start3A_242 : memref<1x32x1024xf32, #tpu.memory_space<vmem>> -> memref<32x1024xf32, #tpu.memory_space<vmem>>
    %dma_start3A_244 = arith.constant 0 : i32
    %dma_start3A_245 = tpu.memref_slice %arg3[%add3A_238, %dma_start3A_244] : memref<8192x1024xf32, #tpu.memory_space<hbm>> -> memref<32x1024xf32, #tpu.memory_space<hbm>>
    %dma_start3A_246 = arith.constant 0 : i32
    %dma_start3A_247 = tpu.memref_slice %arg3[%add3A_238, %dma_start3A_246] : memref<8192x1024xf32, #tpu.memory_space<hbm>> -> memref<32x1024xf32, #tpu.memory_space<hbm>>
    %dma_start3A_248 = arith.constant 0 : i32
    %dma_start3A_249 = arith.constant 0 : i32
    %dma_start3A_250 = tpu.memref_slice %arg4[%dma_start3A_239, %dma_start3A_248, %dma_start3A_249] : memref<3x32x1024xf32, #tpu.memory_space<vmem>> -> memref<1x32x1024xf32, #tpu.memory_space<vmem>>
    %dma_start3A_251 = tpu.memref_squeeze %dma_start3A_250 : memref<1x32x1024xf32, #tpu.memory_space<vmem>> -> memref<32x1024xf32, #tpu.memory_space<vmem>>
    tpu.enqueue_dma source(%dma_start3A_251 : memref<32x1024xf32, #tpu.memory_space<vmem>>) target(%dma_start3A_247 : memref<32x1024xf32, #tpu.memory_space<hbm>>) target_semaphore(%arg6 : memref<!tpu.dma_semaphore, #tpu.memory_space<semaphore_mem>>)
    %dma_wait3A_252 = arith.constant 2 : i32
    %dma_wait3A_253 = arith.constant 0 : i32
    %dma_wait3A_254 = arith.constant 0 : i32
    %dma_wait3A_255 = tpu.memref_slice %arg4[%dma_wait3A_252, %dma_wait3A_253, %dma_wait3A_254] : memref<3x32x1024xf32, #tpu.memory_space<vmem>> -> memref<1x32x1024xf32, #tpu.memory_space<vmem>>
    %dma_wait3A_256 = tpu.memref_squeeze %dma_wait3A_255 : memref<1x32x1024xf32, #tpu.memory_space<vmem>> -> memref<32x1024xf32, #tpu.memory_space<vmem>>
    %dma_wait3A_257 = arith.constant 0 : i32
    %dma_wait3A_258 = tpu.memref_slice %arg3[%add3A_122, %dma_wait3A_257] : memref<8192x1024xf32, #tpu.memory_space<hbm>> -> memref<32x1024xf32, #tpu.memory_space<hbm>>
    %dma_wait3A_259 = arith.constant 0 : i32
    %dma_wait3A_260 = tpu.memref_slice %arg3[%add3A_122, %dma_wait3A_259] : memref<8192x1024xf32, #tpu.memory_space<hbm>> -> memref<32x1024xf32, #tpu.memory_space<hbm>>
    %dma_wait3A_261 = arith.constant 0 : i32
    %dma_wait3A_262 = arith.constant 0 : i32
    %dma_wait3A_263 = tpu.memref_slice %arg4[%dma_wait3A_252, %dma_wait3A_261, %dma_wait3A_262] : memref<3x32x1024xf32, #tpu.memory_space<vmem>> -> memref<1x32x1024xf32, #tpu.memory_space<vmem>>
    %dma_wait3A_264 = tpu.memref_squeeze %dma_wait3A_263 : memref<1x32x1024xf32, #tpu.memory_space<vmem>> -> memref<32x1024xf32, #tpu.memory_space<vmem>>
    tpu.wait_dma2 semaphore(%arg6 : memref<!tpu.dma_semaphore, #tpu.memory_space<semaphore_mem>>) src(%dma_wait3A_264 : memref<32x1024xf32, #tpu.memory_space<vmem>>) dst(%dma_wait3A_260 : memref<32x1024xf32, #tpu.memory_space<hbm>>)
    %add3A_265 = arith.constant 160 : i32
    %add3A_266 = arith.addi %mul3A_2, %add3A_265 : i32
    %dma_start3A_267 = arith.constant 2 : i32
    %dma_start3A_268 = arith.constant 0 : i32
    %dma_start3A_269 = arith.constant 0 : i32
    %dma_start3A_270 = tpu.memref_slice %arg4[%dma_start3A_267, %dma_start3A_268, %dma_start3A_269] : memref<3x32x1024xf32, #tpu.memory_space<vmem>> -> memref<1x32x1024xf32, #tpu.memory_space<vmem>>
    %dma_start3A_271 = tpu.memref_squeeze %dma_start3A_270 : memref<1x32x1024xf32, #tpu.memory_space<vmem>> -> memref<32x1024xf32, #tpu.memory_space<vmem>>
    %dma_start3A_272 = arith.constant 0 : i32
    %dma_start3A_273 = tpu.memref_slice %arg2[%add3A_266, %dma_start3A_272] : memref<8192x1024xf32, #tpu.memory_space<hbm>> -> memref<32x1024xf32, #tpu.memory_space<hbm>>
    %dma_start3A_274 = arith.constant 0 : i32
    %dma_start3A_275 = arith.constant 0 : i32
    %dma_start3A_276 = tpu.memref_slice %arg4[%dma_start3A_267, %dma_start3A_274, %dma_start3A_275] : memref<3x32x1024xf32, #tpu.memory_space<vmem>> -> memref<1x32x1024xf32, #tpu.memory_space<vmem>>
    %dma_start3A_277 = tpu.memref_squeeze %dma_start3A_276 : memref<1x32x1024xf32, #tpu.memory_space<vmem>> -> memref<32x1024xf32, #tpu.memory_space<vmem>>
    %dma_start3A_278 = arith.constant 0 : i32
    %dma_start3A_279 = tpu.memref_slice %arg2[%add3A_266, %dma_start3A_278] : memref<8192x1024xf32, #tpu.memory_space<hbm>> -> memref<32x1024xf32, #tpu.memory_space<hbm>>
    tpu.enqueue_dma source(%dma_start3A_279 : memref<32x1024xf32, #tpu.memory_space<hbm>>) target(%dma_start3A_277 : memref<32x1024xf32, #tpu.memory_space<vmem>>) target_semaphore(%arg5 : memref<!tpu.dma_semaphore, #tpu.memory_space<semaphore_mem>>)
    %add3A_280 = arith.constant 160 : i32
    %add3A_281 = arith.addi %mul3A_2, %add3A_280 : i32
    %dma_wait3A_282 = arith.constant 2 : i32
    %dma_wait3A_283 = arith.constant 0 : i32
    %dma_wait3A_284 = arith.constant 0 : i32
    %dma_wait3A_285 = tpu.memref_slice %arg4[%dma_wait3A_282, %dma_wait3A_283, %dma_wait3A_284] : memref<3x32x1024xf32, #tpu.memory_space<vmem>> -> memref<1x32x1024xf32, #tpu.memory_space<vmem>>
    %dma_wait3A_286 = tpu.memref_squeeze %dma_wait3A_285 : memref<1x32x1024xf32, #tpu.memory_space<vmem>> -> memref<32x1024xf32, #tpu.memory_space<vmem>>
    %dma_wait3A_287 = arith.constant 0 : i32
    %dma_wait3A_288 = tpu.memref_slice %arg2[%add3A_281, %dma_wait3A_287] : memref<8192x1024xf32, #tpu.memory_space<hbm>> -> memref<32x1024xf32, #tpu.memory_space<hbm>>
    %dma_wait3A_289 = arith.constant 0 : i32
    %dma_wait3A_290 = arith.constant 0 : i32
    %dma_wait3A_291 = tpu.memref_slice %arg4[%dma_wait3A_282, %dma_wait3A_289, %dma_wait3A_290] : memref<3x32x1024xf32, #tpu.memory_space<vmem>> -> memref<1x32x1024xf32, #tpu.memory_space<vmem>>
    %dma_wait3A_292 = tpu.memref_squeeze %dma_wait3A_291 : memref<1x32x1024xf32, #tpu.memory_space<vmem>> -> memref<32x1024xf32, #tpu.memory_space<vmem>>
    %dma_wait3A_293 = arith.constant 0 : i32
    %dma_wait3A_294 = tpu.memref_slice %arg2[%add3A_281, %dma_wait3A_293] : memref<8192x1024xf32, #tpu.memory_space<hbm>> -> memref<32x1024xf32, #tpu.memory_space<hbm>>
    tpu.wait_dma2 semaphore(%arg5 : memref<!tpu.dma_semaphore, #tpu.memory_space<semaphore_mem>>) src(%dma_wait3A_294 : memref<32x1024xf32, #tpu.memory_space<hbm>>) dst(%dma_wait3A_292 : memref<32x1024xf32, #tpu.memory_space<vmem>>)
    %add3A_295 = arith.constant 160 : i32
    %add3A_296 = arith.addi %mul3A_2, %add3A_295 : i32
    %dma_start3A_297 = arith.constant 2 : i32
    %dma_start3A_298 = arith.constant 0 : i32
    %dma_start3A_299 = arith.constant 0 : i32
    %dma_start3A_300 = tpu.memref_slice %arg4[%dma_start3A_297, %dma_start3A_298, %dma_start3A_299] : memref<3x32x1024xf32, #tpu.memory_space<vmem>> -> memref<1x32x1024xf32, #tpu.memory_space<vmem>>
    %dma_start3A_301 = tpu.memref_squeeze %dma_start3A_300 : memref<1x32x1024xf32, #tpu.memory_space<vmem>> -> memref<32x1024xf32, #tpu.memory_space<vmem>>
    %dma_start3A_302 = arith.constant 0 : i32
    %dma_start3A_303 = tpu.memref_slice %arg3[%add3A_296, %dma_start3A_302] : memref<8192x1024xf32, #tpu.memory_space<hbm>> -> memref<32x1024xf32, #tpu.memory_space<hbm>>
    %dma_start3A_304 = arith.constant 0 : i32
    %dma_start3A_305 = tpu.memref_slice %arg3[%add3A_296, %dma_start3A_304] : memref<8192x1024xf32, #tpu.memory_space<hbm>> -> memref<32x1024xf32, #tpu.memory_space<hbm>>
    %dma_start3A_306 = arith.constant 0 : i32
    %dma_start3A_307 = arith.constant 0 : i32
    %dma_start3A_308 = tpu.memref_slice %arg4[%dma_start3A_297, %dma_start3A_306, %dma_start3A_307] : memref<3x32x1024xf32, #tpu.memory_space<vmem>> -> memref<1x32x1024xf32, #tpu.memory_space<vmem>>
    %dma_start3A_309 = tpu.memref_squeeze %dma_start3A_308 : memref<1x32x1024xf32, #tpu.memory_space<vmem>> -> memref<32x1024xf32, #tpu.memory_space<vmem>>
    tpu.enqueue_dma source(%dma_start3A_309 : memref<32x1024xf32, #tpu.memory_space<vmem>>) target(%dma_start3A_305 : memref<32x1024xf32, #tpu.memory_space<hbm>>) target_semaphore(%arg6 : memref<!tpu.dma_semaphore, #tpu.memory_space<semaphore_mem>>)
    %dma_wait3A_310 = arith.constant 0 : i32
    %dma_wait3A_311 = arith.constant 0 : i32
    %dma_wait3A_312 = arith.constant 0 : i32
    %dma_wait3A_313 = tpu.memref_slice %arg4[%dma_wait3A_310, %dma_wait3A_311, %dma_wait3A_312] : memref<3x32x1024xf32, #tpu.memory_space<vmem>> -> memref<1x32x1024xf32, #tpu.memory_space<vmem>>
    %dma_wait3A_314 = tpu.memref_squeeze %dma_wait3A_313 : memref<1x32x1024xf32, #tpu.memory_space<vmem>> -> memref<32x1024xf32, #tpu.memory_space<vmem>>
    %dma_wait3A_315 = arith.constant 0 : i32
    %dma_wait3A_316 = tpu.memref_slice %arg3[%add3A_180, %dma_wait3A_315] : memref<8192x1024xf32, #tpu.memory_space<hbm>> -> memref<32x1024xf32, #tpu.memory_space<hbm>>
    %dma_wait3A_317 = arith.constant 0 : i32
    %dma_wait3A_318 = tpu.memref_slice %arg3[%add3A_180, %dma_wait3A_317] : memref<8192x1024xf32, #tpu.memory_space<hbm>> -> memref<32x1024xf32, #tpu.memory_space<hbm>>
    %dma_wait3A_319 = arith.constant 0 : i32
    %dma_wait3A_320 = arith.constant 0 : i32
    %dma_wait3A_321 = tpu.memref_slice %arg4[%dma_wait3A_310, %dma_wait3A_319, %dma_wait3A_320] : memref<3x32x1024xf32, #tpu.memory_space<vmem>> -> memref<1x32x1024xf32, #tpu.memory_space<vmem>>
    %dma_wait3A_322 = tpu.memref_squeeze %dma_wait3A_321 : memref<1x32x1024xf32, #tpu.memory_space<vmem>> -> memref<32x1024xf32, #tpu.memory_space<vmem>>
    tpu.wait_dma2 semaphore(%arg6 : memref<!tpu.dma_semaphore, #tpu.memory_space<semaphore_mem>>) src(%dma_wait3A_322 : memref<32x1024xf32, #tpu.memory_space<vmem>>) dst(%dma_wait3A_318 : memref<32x1024xf32, #tpu.memory_space<hbm>>)
    %add3A_323 = arith.constant 192 : i32
    %add3A_324 = arith.addi %mul3A_2, %add3A_323 : i32
    %dma_start3A_325 = arith.constant 0 : i32
    %dma_start3A_326 = arith.constant 0 : i32
    %dma_start3A_327 = arith.constant 0 : i32
    %dma_start3A_328 = tpu.memref_slice %arg4[%dma_start3A_325, %dma_start3A_326, %dma_start3A_327] : memref<3x32x1024xf32, #tpu.memory_space<vmem>> -> memref<1x32x1024xf32, #tpu.memory_space<vmem>>
    %dma_start3A_329 = tpu.memref_squeeze %dma_start3A_328 : memref<1x32x1024xf32, #tpu.memory_space<vmem>> -> memref<32x1024xf32, #tpu.memory_space<vmem>>
    %dma_start3A_330 = arith.constant 0 : i32
    %dma_start3A_331 = tpu.memref_slice %arg2[%add3A_324, %dma_start3A_330] : memref<8192x1024xf32, #tpu.memory_space<hbm>> -> memref<32x1024xf32, #tpu.memory_space<hbm>>
    %dma_start3A_332 = arith.constant 0 : i32
    %dma_start3A_333 = arith.constant 0 : i32
    %dma_start3A_334 = tpu.memref_slice %arg4[%dma_start3A_325, %dma_start3A_332, %dma_start3A_333] : memref<3x32x1024xf32, #tpu.memory_space<vmem>> -> memref<1x32x1024xf32, #tpu.memory_space<vmem>>
    %dma_start3A_335 = tpu.memref_squeeze %dma_start3A_334 : memref<1x32x1024xf32, #tpu.memory_space<vmem>> -> memref<32x1024xf32, #tpu.memory_space<vmem>>
    %dma_start3A_336 = arith.constant 0 : i32
    %dma_start3A_337 = tpu.memref_slice %arg2[%add3A_324, %dma_start3A_336] : memref<8192x1024xf32, #tpu.memory_space<hbm>> -> memref<32x1024xf32, #tpu.memory_space<hbm>>
    tpu.enqueue_dma source(%dma_start3A_337 : memref<32x1024xf32, #tpu.memory_space<hbm>>) target(%dma_start3A_335 : memref<32x1024xf32, #tpu.memory_space<vmem>>) target_semaphore(%arg5 : memref<!tpu.dma_semaphore, #tpu.memory_space<semaphore_mem>>)
    %add3A_338 = arith.constant 192 : i32
    %add3A_339 = arith.addi %mul3A_2, %add3A_338 : i32
    %dma_wait3A_340 = arith.constant 0 : i32
    %dma_wait3A_341 = arith.constant 0 : i32
    %dma_wait3A_342 = arith.constant 0 : i32
    %dma_wait3A_343 = tpu.memref_slice %arg4[%dma_wait3A_340, %dma_wait3A_341, %dma_wait3A_342] : memref<3x32x1024xf32, #tpu.memory_space<vmem>> -> memref<1x32x1024xf32, #tpu.memory_space<vmem>>
    %dma_wait3A_344 = tpu.memref_squeeze %dma_wait3A_343 : memref<1x32x1024xf32, #tpu.memory_space<vmem>> -> memref<32x1024xf32, #tpu.memory_space<vmem>>
    %dma_wait3A_345 = arith.constant 0 : i32
    %dma_wait3A_346 = tpu.memref_slice %arg2[%add3A_339, %dma_wait3A_345] : memref<8192x1024xf32, #tpu.memory_space<hbm>> -> memref<32x1024xf32, #tpu.memory_space<hbm>>
    %dma_wait3A_347 = arith.constant 0 : i32
    %dma_wait3A_348 = arith.constant 0 : i32
    %dma_wait3A_349 = tpu.memref_slice %arg4[%dma_wait3A_340, %dma_wait3A_347, %dma_wait3A_348] : memref<3x32x1024xf32, #tpu.memory_space<vmem>> -> memref<1x32x1024xf32, #tpu.memory_space<vmem>>
    %dma_wait3A_350 = tpu.memref_squeeze %dma_wait3A_349 : memref<1x32x1024xf32, #tpu.memory_space<vmem>> -> memref<32x1024xf32, #tpu.memory_space<vmem>>
    %dma_wait3A_351 = arith.constant 0 : i32
    %dma_wait3A_352 = tpu.memref_slice %arg2[%add3A_339, %dma_wait3A_351] : memref<8192x1024xf32, #tpu.memory_space<hbm>> -> memref<32x1024xf32, #tpu.memory_space<hbm>>
    tpu.wait_dma2 semaphore(%arg5 : memref<!tpu.dma_semaphore, #tpu.memory_space<semaphore_mem>>) src(%dma_wait3A_352 : memref<32x1024xf32, #tpu.memory_space<hbm>>) dst(%dma_wait3A_350 : memref<32x1024xf32, #tpu.memory_space<vmem>>)
    %add3A_353 = arith.constant 192 : i32
    %add3A_354 = arith.addi %mul3A_2, %add3A_353 : i32
    %dma_start3A_355 = arith.constant 0 : i32
    %dma_start3A_356 = arith.constant 0 : i32
    %dma_start3A_357 = arith.constant 0 : i32
    %dma_start3A_358 = tpu.memref_slice %arg4[%dma_start3A_355, %dma_start3A_356, %dma_start3A_357] : memref<3x32x1024xf32, #tpu.memory_space<vmem>> -> memref<1x32x1024xf32, #tpu.memory_space<vmem>>
    %dma_start3A_359 = tpu.memref_squeeze %dma_start3A_358 : memref<1x32x1024xf32, #tpu.memory_space<vmem>> -> memref<32x1024xf32, #tpu.memory_space<vmem>>
    %dma_start3A_360 = arith.constant 0 : i32
    %dma_start3A_361 = tpu.memref_slice %arg3[%add3A_354, %dma_start3A_360] : memref<8192x1024xf32, #tpu.memory_space<hbm>> -> memref<32x1024xf32, #tpu.memory_space<hbm>>
    %dma_start3A_362 = arith.constant 0 : i32
    %dma_start3A_363 = tpu.memref_slice %arg3[%add3A_354, %dma_start3A_362] : memref<8192x1024xf32, #tpu.memory_space<hbm>> -> memref<32x1024xf32, #tpu.memory_space<hbm>>
    %dma_start3A_364 = arith.constant 0 : i32
    %dma_start3A_365 = arith.constant 0 : i32
    %dma_start3A_366 = tpu.memref_slice %arg4[%dma_start3A_355, %dma_start3A_364, %dma_start3A_365] : memref<3x32x1024xf32, #tpu.memory_space<vmem>> -> memref<1x32x1024xf32, #tpu.memory_space<vmem>>
    %dma_start3A_367 = tpu.memref_squeeze %dma_start3A_366 : memref<1x32x1024xf32, #tpu.memory_space<vmem>> -> memref<32x1024xf32, #tpu.memory_space<vmem>>
    tpu.enqueue_dma source(%dma_start3A_367 : memref<32x1024xf32, #tpu.memory_space<vmem>>) target(%dma_start3A_363 : memref<32x1024xf32, #tpu.memory_space<hbm>>) target_semaphore(%arg6 : memref<!tpu.dma_semaphore, #tpu.memory_space<semaphore_mem>>)
    %dma_wait3A_368 = arith.constant 1 : i32
    %dma_wait3A_369 = arith.constant 0 : i32
    %dma_wait3A_370 = arith.constant 0 : i32
    %dma_wait3A_371 = tpu.memref_slice %arg4[%dma_wait3A_368, %dma_wait3A_369, %dma_wait3A_370] : memref<3x32x1024xf32, #tpu.memory_space<vmem>> -> memref<1x32x1024xf32, #tpu.memory_space<vmem>>
    %dma_wait3A_372 = tpu.memref_squeeze %dma_wait3A_371 : memref<1x32x1024xf32, #tpu.memory_space<vmem>> -> memref<32x1024xf32, #tpu.memory_space<vmem>>
    %dma_wait3A_373 = arith.constant 0 : i32
    %dma_wait3A_374 = tpu.memref_slice %arg3[%add3A_238, %dma_wait3A_373] : memref<8192x1024xf32, #tpu.memory_space<hbm>> -> memref<32x1024xf32, #tpu.memory_space<hbm>>
    %dma_wait3A_375 = arith.constant 0 : i32
    %dma_wait3A_376 = tpu.memref_slice %arg3[%add3A_238, %dma_wait3A_375] : memref<8192x1024xf32, #tpu.memory_space<hbm>> -> memref<32x1024xf32, #tpu.memory_space<hbm>>
    %dma_wait3A_377 = arith.constant 0 : i32
    %dma_wait3A_378 = arith.constant 0 : i32
    %dma_wait3A_379 = tpu.memref_slice %arg4[%dma_wait3A_368, %dma_wait3A_377, %dma_wait3A_378] : memref<3x32x1024xf32, #tpu.memory_space<vmem>> -> memref<1x32x1024xf32, #tpu.memory_space<vmem>>
    %dma_wait3A_380 = tpu.memref_squeeze %dma_wait3A_379 : memref<1x32x1024xf32, #tpu.memory_space<vmem>> -> memref<32x1024xf32, #tpu.memory_space<vmem>>
    tpu.wait_dma2 semaphore(%arg6 : memref<!tpu.dma_semaphore, #tpu.memory_space<semaphore_mem>>) src(%dma_wait3A_380 : memref<32x1024xf32, #tpu.memory_space<vmem>>) dst(%dma_wait3A_376 : memref<32x1024xf32, #tpu.memory_space<hbm>>)
    %add3A_381 = arith.constant 224 : i32
    %add3A_382 = arith.addi %mul3A_2, %add3A_381 : i32
    %dma_start3A_383 = arith.constant 1 : i32
    %dma_start3A_384 = arith.constant 0 : i32
    %dma_start3A_385 = arith.constant 0 : i32
    %dma_start3A_386 = tpu.memref_slice %arg4[%dma_start3A_383, %dma_start3A_384, %dma_start3A_385] : memref<3x32x1024xf32, #tpu.memory_space<vmem>> -> memref<1x32x1024xf32, #tpu.memory_space<vmem>>
    %dma_start3A_387 = tpu.memref_squeeze %dma_start3A_386 : memref<1x32x1024xf32, #tpu.memory_space<vmem>> -> memref<32x1024xf32, #tpu.memory_space<vmem>>
    %dma_start3A_388 = arith.constant 0 : i32
    %dma_start3A_389 = tpu.memref_slice %arg2[%add3A_382, %dma_start3A_388] : memref<8192x1024xf32, #tpu.memory_space<hbm>> -> memref<32x1024xf32, #tpu.memory_space<hbm>>
    %dma_start3A_390 = arith.constant 0 : i32
    %dma_start3A_391 = arith.constant 0 : i32
    %dma_start3A_392 = tpu.memref_slice %arg4[%dma_start3A_383, %dma_start3A_390, %dma_start3A_391] : memref<3x32x1024xf32, #tpu.memory_space<vmem>> -> memref<1x32x1024xf32, #tpu.memory_space<vmem>>
    %dma_start3A_393 = tpu.memref_squeeze %dma_start3A_392 : memref<1x32x1024xf32, #tpu.memory_space<vmem>> -> memref<32x1024xf32, #tpu.memory_space<vmem>>
    %dma_start3A_394 = arith.constant 0 : i32
    %dma_start3A_395 = tpu.memref_slice %arg2[%add3A_382, %dma_start3A_394] : memref<8192x1024xf32, #tpu.memory_space<hbm>> -> memref<32x1024xf32, #tpu.memory_space<hbm>>
    tpu.enqueue_dma source(%dma_start3A_395 : memref<32x1024xf32, #tpu.memory_space<hbm>>) target(%dma_start3A_393 : memref<32x1024xf32, #tpu.memory_space<vmem>>) target_semaphore(%arg5 : memref<!tpu.dma_semaphore, #tpu.memory_space<semaphore_mem>>)
    %add3A_396 = arith.constant 224 : i32
    %add3A_397 = arith.addi %mul3A_2, %add3A_396 : i32
    %dma_wait3A_398 = arith.constant 1 : i32
    %dma_wait3A_399 = arith.constant 0 : i32
    %dma_wait3A_400 = arith.constant 0 : i32
    %dma_wait3A_401 = tpu.memref_slice %arg4[%dma_wait3A_398, %dma_wait3A_399, %dma_wait3A_400] : memref<3x32x1024xf32, #tpu.memory_space<vmem>> -> memref<1x32x1024xf32, #tpu.memory_space<vmem>>
    %dma_wait3A_402 = tpu.memref_squeeze %dma_wait3A_401 : memref<1x32x1024xf32, #tpu.memory_space<vmem>> -> memref<32x1024xf32, #tpu.memory_space<vmem>>
    %dma_wait3A_403 = arith.constant 0 : i32
    %dma_wait3A_404 = tpu.memref_slice %arg2[%add3A_397, %dma_wait3A_403] : memref<8192x1024xf32, #tpu.memory_space<hbm>> -> memref<32x1024xf32, #tpu.memory_space<hbm>>
    %dma_wait3A_405 = arith.constant 0 : i32
    %dma_wait3A_406 = arith.constant 0 : i32
    %dma_wait3A_407 = tpu.memref_slice %arg4[%dma_wait3A_398, %dma_wait3A_405, %dma_wait3A_406] : memref<3x32x1024xf32, #tpu.memory_space<vmem>> -> memref<1x32x1024xf32, #tpu.memory_space<vmem>>
    %dma_wait3A_408 = tpu.memref_squeeze %dma_wait3A_407 : memref<1x32x1024xf32, #tpu.memory_space<vmem>> -> memref<32x1024xf32, #tpu.memory_space<vmem>>
    %dma_wait3A_409 = arith.constant 0 : i32
    %dma_wait3A_410 = tpu.memref_slice %arg2[%add3A_397, %dma_wait3A_409] : memref<8192x1024xf32, #tpu.memory_space<hbm>> -> memref<32x1024xf32, #tpu.memory_space<hbm>>
    tpu.wait_dma2 semaphore(%arg5 : memref<!tpu.dma_semaphore, #tpu.memory_space<semaphore_mem>>) src(%dma_wait3A_410 : memref<32x1024xf32, #tpu.memory_space<hbm>>) dst(%dma_wait3A_408 : memref<32x1024xf32, #tpu.memory_space<vmem>>)
    %add3A_411 = arith.constant 224 : i32
    %add3A_412 = arith.addi %mul3A_2, %add3A_411 : i32
    %dma_start3A_413 = arith.constant 1 : i32
    %dma_start3A_414 = arith.constant 0 : i32
    %dma_start3A_415 = arith.constant 0 : i32
    %dma_start3A_416 = tpu.memref_slice %arg4[%dma_start3A_413, %dma_start3A_414, %dma_start3A_415] : memref<3x32x1024xf32, #tpu.memory_space<vmem>> -> memref<1x32x1024xf32, #tpu.memory_space<vmem>>
    %dma_start3A_417 = tpu.memref_squeeze %dma_start3A_416 : memref<1x32x1024xf32, #tpu.memory_space<vmem>> -> memref<32x1024xf32, #tpu.memory_space<vmem>>
    %dma_start3A_418 = arith.constant 0 : i32
    %dma_start3A_419 = tpu.memref_slice %arg3[%add3A_412, %dma_start3A_418] : memref<8192x1024xf32, #tpu.memory_space<hbm>> -> memref<32x1024xf32, #tpu.memory_space<hbm>>
    %dma_start3A_420 = arith.constant 0 : i32
    %dma_start3A_421 = tpu.memref_slice %arg3[%add3A_412, %dma_start3A_420] : memref<8192x1024xf32, #tpu.memory_space<hbm>> -> memref<32x1024xf32, #tpu.memory_space<hbm>>
    %dma_start3A_422 = arith.constant 0 : i32
    %dma_start3A_423 = arith.constant 0 : i32
    %dma_start3A_424 = tpu.memref_slice %arg4[%dma_start3A_413, %dma_start3A_422, %dma_start3A_423] : memref<3x32x1024xf32, #tpu.memory_space<vmem>> -> memref<1x32x1024xf32, #tpu.memory_space<vmem>>
    %dma_start3A_425 = tpu.memref_squeeze %dma_start3A_424 : memref<1x32x1024xf32, #tpu.memory_space<vmem>> -> memref<32x1024xf32, #tpu.memory_space<vmem>>
    tpu.enqueue_dma source(%dma_start3A_425 : memref<32x1024xf32, #tpu.memory_space<vmem>>) target(%dma_start3A_421 : memref<32x1024xf32, #tpu.memory_space<hbm>>) target_semaphore(%arg6 : memref<!tpu.dma_semaphore, #tpu.memory_space<semaphore_mem>>)
    %dma_wait3A_426 = arith.constant 2 : i32
    %dma_wait3A_427 = arith.constant 0 : i32
    %dma_wait3A_428 = arith.constant 0 : i32
    %dma_wait3A_429 = tpu.memref_slice %arg4[%dma_wait3A_426, %dma_wait3A_427, %dma_wait3A_428] : memref<3x32x1024xf32, #tpu.memory_space<vmem>> -> memref<1x32x1024xf32, #tpu.memory_space<vmem>>
    %dma_wait3A_430 = tpu.memref_squeeze %dma_wait3A_429 : memref<1x32x1024xf32, #tpu.memory_space<vmem>> -> memref<32x1024xf32, #tpu.memory_space<vmem>>
    %dma_wait3A_431 = arith.constant 0 : i32
    %dma_wait3A_432 = tpu.memref_slice %arg3[%add3A_296, %dma_wait3A_431] : memref<8192x1024xf32, #tpu.memory_space<hbm>> -> memref<32x1024xf32, #tpu.memory_space<hbm>>
    %dma_wait3A_433 = arith.constant 0 : i32
    %dma_wait3A_434 = tpu.memref_slice %arg3[%add3A_296, %dma_wait3A_433] : memref<8192x1024xf32, #tpu.memory_space<hbm>> -> memref<32x1024xf32, #tpu.memory_space<hbm>>
    %dma_wait3A_435 = arith.constant 0 : i32
    %dma_wait3A_436 = arith.constant 0 : i32
    %dma_wait3A_437 = tpu.memref_slice %arg4[%dma_wait3A_426, %dma_wait3A_435, %dma_wait3A_436] : memref<3x32x1024xf32, #tpu.memory_space<vmem>> -> memref<1x32x1024xf32, #tpu.memory_space<vmem>>
    %dma_wait3A_438 = tpu.memref_squeeze %dma_wait3A_437 : memref<1x32x1024xf32, #tpu.memory_space<vmem>> -> memref<32x1024xf32, #tpu.memory_space<vmem>>
    tpu.wait_dma2 semaphore(%arg6 : memref<!tpu.dma_semaphore, #tpu.memory_space<semaphore_mem>>) src(%dma_wait3A_438 : memref<32x1024xf32, #tpu.memory_space<vmem>>) dst(%dma_wait3A_434 : memref<32x1024xf32, #tpu.memory_space<hbm>>)
    %dma_wait3A_439 = arith.constant 0 : i32
    %dma_wait3A_440 = arith.constant 0 : i32
    %dma_wait3A_441 = arith.constant 0 : i32
    %dma_wait3A_442 = tpu.memref_slice %arg4[%dma_wait3A_439, %dma_wait3A_440, %dma_wait3A_441] : memref<3x32x1024xf32, #tpu.memory_space<vmem>> -> memref<1x32x1024xf32, #tpu.memory_space<vmem>>
    %dma_wait3A_443 = tpu.memref_squeeze %dma_wait3A_442 : memref<1x32x1024xf32, #tpu.memory_space<vmem>> -> memref<32x1024xf32, #tpu.memory_space<vmem>>
    %dma_wait3A_444 = arith.constant 0 : i32
    %dma_wait3A_445 = tpu.memref_slice %arg3[%add3A_354, %dma_wait3A_444] : memref<8192x1024xf32, #tpu.memory_space<hbm>> -> memref<32x1024xf32, #tpu.memory_space<hbm>>
    %dma_wait3A_446 = arith.constant 0 : i32
    %dma_wait3A_447 = tpu.memref_slice %arg3[%add3A_354, %dma_wait3A_446] : memref<8192x1024xf32, #tpu.memory_space<hbm>> -> memref<32x1024xf32, #tpu.memory_space<hbm>>
    %dma_wait3A_448 = arith.constant 0 : i32
    %dma_wait3A_449 = arith.constant 0 : i32
    %dma_wait3A_450 = tpu.memref_slice %arg4[%dma_wait3A_439, %dma_wait3A_448, %dma_wait3A_449] : memref<3x32x1024xf32, #tpu.memory_space<vmem>> -> memref<1x32x1024xf32, #tpu.memory_space<vmem>>
    %dma_wait3A_451 = tpu.memref_squeeze %dma_wait3A_450 : memref<1x32x1024xf32, #tpu.memory_space<vmem>> -> memref<32x1024xf32, #tpu.memory_space<vmem>>
    tpu.wait_dma2 semaphore(%arg6 : memref<!tpu.dma_semaphore, #tpu.memory_space<semaphore_mem>>) src(%dma_wait3A_451 : memref<32x1024xf32, #tpu.memory_space<vmem>>) dst(%dma_wait3A_447 : memref<32x1024xf32, #tpu.memory_space<hbm>>)
    %dma_wait3A_452 = arith.constant 1 : i32
    %dma_wait3A_453 = arith.constant 0 : i32
    %dma_wait3A_454 = arith.constant 0 : i32
    %dma_wait3A_455 = tpu.memref_slice %arg4[%dma_wait3A_452, %dma_wait3A_453, %dma_wait3A_454] : memref<3x32x1024xf32, #tpu.memory_space<vmem>> -> memref<1x32x1024xf32, #tpu.memory_space<vmem>>
    %dma_wait3A_456 = tpu.memref_squeeze %dma_wait3A_455 : memref<1x32x1024xf32, #tpu.memory_space<vmem>> -> memref<32x1024xf32, #tpu.memory_space<vmem>>
    %dma_wait3A_457 = arith.constant 0 : i32
    %dma_wait3A_458 = tpu.memref_slice %arg3[%add3A_412, %dma_wait3A_457] : memref<8192x1024xf32, #tpu.memory_space<hbm>> -> memref<32x1024xf32, #tpu.memory_space<hbm>>
    %dma_wait3A_459 = arith.constant 0 : i32
    %dma_wait3A_460 = tpu.memref_slice %arg3[%add3A_412, %dma_wait3A_459] : memref<8192x1024xf32, #tpu.memory_space<hbm>> -> memref<32x1024xf32, #tpu.memory_space<hbm>>
    %dma_wait3A_461 = arith.constant 0 : i32
    %dma_wait3A_462 = arith.constant 0 : i32
    %dma_wait3A_463 = tpu.memref_slice %arg4[%dma_wait3A_452, %dma_wait3A_461, %dma_wait3A_462] : memref<3x32x1024xf32, #tpu.memory_space<vmem>> -> memref<1x32x1024xf32, #tpu.memory_space<vmem>>
    %dma_wait3A_464 = tpu.memref_squeeze %dma_wait3A_463 : memref<1x32x1024xf32, #tpu.memory_space<vmem>> -> memref<32x1024xf32, #tpu.memory_space<vmem>>
    tpu.wait_dma2 semaphore(%arg6 : memref<!tpu.dma_semaphore, #tpu.memory_space<semaphore_mem>>) src(%dma_wait3A_464 : memref<32x1024xf32, #tpu.memory_space<vmem>>) dst(%dma_wait3A_460 : memref<32x1024xf32, #tpu.memory_space<hbm>>)
    return
  }
}

</mosaic_0001>

<sc_bundles>
// kernel: kernel.3.cloned.1.call-start
scs
__scs_entry_jumppad:
0x0: {  	(pc) =	sbr.rel $0x88, $3  }
0x1: {  	(tag) =	ssettag $0x0;
	lr =	simm.s32 $0x1  }
0x2: {  	[smem:$0x3FA0] =	sst lr;
	_ =	strace $0xD0000000  }
0x3: {  	_ = 	snop  }
0x4: {  	_ = 	snop  }
0x5: {  	_ = 	snop  }
0x6: {  	_ = 	snop  }
0x7: {  	_ = 	snop  }
__scs_overlays_trampoline_lowered:
0x8: {  	[smem:$0x3FAF] =	sst s0  }
0x9: {  	[smem:$0x3FB0] =	sst s1  }
0xa: {  	[smem:$0x3FB1] =	sst s2  }
0xb: {  	[smem:$0x3FB2] =	sst s3  }
0xc: {  	[smem:$0x3FB3] =	sst s4  }
0xd: {  	[smem:$0x3FB4] =	sst s5  }
0xe: {  	[smem:$0x3FB5] =	sst s6  }
0xf: {  	[smem:$0x3FB6] =	sst s7  }
0x10: {  	[smem:$0x3FB7] =	sst s8  }
0x11: {  	[smem:$0x3FB8] =	sst s9;
	s0 =	simm.s32 @!p0 $0x0  }
0x12: {  	s1 =	sld [smem:$0x3F9E];
	s0 =	simm.s32 @p0 $0x1  }
0x13: {  	[smem:$0x3FB9] =	sst s0;
	s0 =	simm.s32 @!p1 $0x0  }
0x14: {  	s2 =	sld [smem:$0x3F9D];
	s0 =	simm.s32 @p1 $0x1  }
0x15: {  	[smem:$0x3FBA] =	sst s0;
	s0 =	simm.s32 @!p2 $0x0  }
0x16: {  	s3 =	sld [smem:$0x3FDB];
	s0 =	simm.s32 @p2 $0x1  }
0x17: {  	s4 =	simm.s32 $0x1BF5;
	[smem:$0x3FBC] =	sst s0  }
0x18: {  	s0 =	sld [smem:$0x3F9F];
	_ =	swait.ge [sflag:s4], $0x0  }
0x19: {  	s7 =	sld [smem:$0x3FA0]  }
0x1a: {  	s8 =	sadd.s32 $0xFFFFE003, lr  }
0x1b: {  	s9 =	sadd.s32 $0xFFFFFEF7, lr;
	s5 =	simm.s32 $0xFFFFFFFF;
	p2 =	slt.u32 s8, $0xFFFFF086  }
0x1c: {  	p1 =	slt.u32 s9, $0xF7A;
	s5 =	simm.s32 @!p2 $0x0  }
0x1d: {  	s5 =	simm.s32 @p1 $0x1;
	p0 =	seq.s32 s7, s2  }
0x1e: {  	s7 =	smul.u32 @!p0 $0xF7A, s2;
	p2 =	seq.s32 @!p0 s5, $0x0  }
0x1f: {  	s9 =	smul.u32 $0xF7A, s1;
	s8 =	simm.s32 @!p0 $0x1BF5;
	p2 =	por !p2, p0  }
0x20: {  	[sflag:s8] =	ssyncset.s32 @!p0 $0xFFFFF086;
	s6 =	sadd.s32 @!p0 s3, s7;
	s7 =	simm.s32 @!p0 $0x108  }
0x21: {  	s3 =	sadd.s32 s3, s9;
	s6 =	sadd.s32 @!p0 $0x88, s6;
	s7 =	simm.s32 @p2 $0x1082  }
0x22: {  	[simem:s7], [sflag:s8] =	dma.local @!p0 [hbm:s6], $0xF7A  }
0x23: {  	s9 =	sor.u32 $0xD0000000, s2;
	s6 =	simm.s32 $0x108;
	_ =	swait.ge @!p0 [sflag:s8], $0x0  }
0x24: {  	s3 =	sadd.s32 $0x88, s3;
	s6 =	simm.s32 @!p1 $0x1082;
	[sflag:s4] =	ssyncset.s32 $0xFFFFF086  }
0x25: {  	[simem:s6], [sflag:s4] =	dma.local [hbm:s3], $0xF7A  }
0x26: {  	[smem:$0x3FA0] =	sst s1;
	(tag) =	ssettag s2;
	_ =	strace s9  }
0x27: {  	s1 =	sld [smem:$0x3FB0]  }
0x28: {  	s2 =	sld [smem:$0x3FB1]  }
0x29: {  	s4 =	sld [smem:$0x3FB3]  }
0x2a: {  	p0 =	seq.s32 s5, $0x0;
	s5 =	sld [smem:$0x3FB4]  }
0x2b: {  	s6 =	sld [smem:$0x3FB5]  }
0x2c: {  	s7 =	sld [smem:$0x3FB6]  }
0x2d: {  	s3 =	simm.s32 $0x108;
	s8 =	sld [smem:$0x3FB7]  }
0x2e: {  	s3 =	simm.s32 @!p0 $0x1082;
	s9 =	sld [smem:$0x3FB8]  }
0x2f: {  	lr =	sadd.s32 s0, s3;
	s0 =	sld [smem:$0x3FAF]  }
0x30: {  	s3 =	sld [smem:$0x3FB2]  }
0x31: {  	[smem:$0x3FBB] =	sst s10  }
0x32: {  	s10 =	sld [smem:$0x3FB9];
	_ =	sdelay $0x3  }
0x33: {  	p0 =	seq.s32 s10, $0x1;
	s10 =	sld [smem:$0x3FBB];
	_ =	sdelay $0x3  }
0x34: {  	[smem:$0x3FBB] =	sst s10  }
0x35: {  	s10 =	sld [smem:$0x3FBA];
	_ =	sdelay $0x3  }
0x36: {  	p1 =	seq.s32 s10, $0x1;
	s10 =	sld [smem:$0x3FBB];
	_ =	sdelay $0x3  }
0x37: {  	[smem:$0x3FBB] =	sst s10  }
0x38: {  	s10 =	sld [smem:$0x3FBC]  }
0x39: {  	_ = 	snop;
	(pc) =	sbr.ind lr, $3  }
0x3a: {  	_ = 	snop  }
0x3b: {  	_ = 	snop  }
0x3c: {  	p2 =	seq.s32 s10, $0x1;
	s10 =	sld [smem:$0x3FBB]  }
0x3d: {  	_ =	shalt  }
0x3e: {  	_ =	shalt  }
0x3f: {  	_ =	shalt  }
0x40: {  	_ =	shalt  }
0x41: {  	_ =	shalt  }
0x42: {  	_ =	shalt  }
0x43: {  	_ =	shalt  }
0x44: {  	_ =	shalt  }
0x45: {  	_ =	shalt  }
0x46: {  	_ =	shalt  }
0x47: {  	_ =	shalt  }
0x48: {  	_ =	shalt  }
0x49: {  	_ =	shalt  }
0x4a: {  	_ =	shalt  }
0x4b: {  	_ =	shalt  }
0x4c: {  	_ =	shalt  }
0x4d: {  	_ =	shalt  }
0x4e: {  	_ =	shalt  }
0x4f: {  	_ =	shalt  }
0x50: {  	_ =	shalt  }
0x51: {  	_ =	shalt  }
0x52: {  	_ =	shalt  }
0x53: {  	_ =	shalt  }
0x54: {  	_ =	shalt  }
0x55: {  	_ =	shalt  }
0x56: {  	_ =	shalt  }
0x57: {  	_ =	shalt  }
0x58: {  	_ =	shalt  }
0x59: {  	_ =	shalt  }
0x5a: {  	_ =	shalt  }
0x5b: {  	_ =	shalt  }
0x5c: {  	_ =	shalt  }
0x5d: {  	_ =	shalt  }
0x5e: {  	_ =	shalt  }
0x5f: {  	_ =	shalt  }
0x60: {  	_ =	shalt  }
0x61: {  	_ =	shalt  }
0x62: {  	_ =	shalt  }
0x63: {  	_ =	shalt  }
0x64: {  	_ =	shalt  }
0x65: {  	_ =	shalt  }
0x66: {  	_ =	shalt  }
0x67: {  	_ =	shalt  }
0x68: {  	_ =	shalt  }
0x69: {  	_ =	shalt  }
0x6a: {  	_ =	shalt  }
0x6b: {  	_ =	shalt  }
0x6c: {  	_ =	shalt  }
0x6d: {  	_ =	shalt  }
0x6e: {  	_ =	shalt  }
0x6f: {  	_ =	shalt  }
0x70: {  	_ =	shalt  }
0x71: {  	_ =	shalt  }
0x72: {  	_ =	shalt  }
0x73: {  	_ =	shalt  }
0x74: {  	_ =	shalt  }
0x75: {  	_ =	shalt  }
0x76: {  	_ =	shalt  }
0x77: {  	_ =	shalt  }
0x78: {  	_ =	shalt  }
0x79: {  	_ =	shalt  }
0x7a: {  	_ =	shalt  }
0x7b: {  	_ =	shalt  }
0x7c: {  	_ =	shalt  }
0x7d: {  	_ =	shalt  }
0x7e: {  	_ =	shalt  }
0x7f: {  	_ =	shalt  }
0x80: {  	_ =	shalt  }
0x81: {  	_ =	shalt  }
0x82: {  	_ =	shalt  }
0x83: {  	_ =	shalt  }
0x84: {  	_ =	shalt  }
0x85: {  	_ =	shalt  }
0x86: {  	_ =	shalt  }
0x87: {  	_ =	shalt  }
.Lfunc_end0:
.L_simem_size_0:
called_computation_lowered:
.L_overlay_start_0:
0x88: {  	s2 =	sld [smem:$0x3FD9]  }
0x89: {  	s3 =	sld [smem:$0x3FFE];
	_ =	sdelay $0x1  }
0x8a: {  	s1 =	srdreg.scid  }
0x8b: {  	s0 =	sand.u32 $0x1, s1  }
0x8c: {  	s18 =	sshll.u32 s0, $0xA;
	s2 =	sadd.s32 s3, s2  }
0x8d: {  	s2 =	sadd.s32 s2, s18  }
0x8e: {  	[smem:$0x3FC7] =	sst s2  }
0x8f: {  	_ = 	snop  }
0x90: {  	s2 =	sld [smem:$0x3FC9]  }
0x91: {  	s19 =	sld [smem:$0x3FD0];
	(tm) =	ssettm $0x1  }
0x92: {  	s4 =	sld [smem:$0x3FFB];
	_ =	sdelay $0x3  }
0x93: {  	_ =	strace s4  }
0x94: {  	s4 =	sld [smem:$0x3FFC];
	_ =	sdelay $0x3  }
0x95: {  	_ =	strace s4  }
0x96: {  	s4 =	sld [smem:$0x3FFD];
	_ =	sdelay $0x3  }
0x97: {  	_ =	strace s4  }
0x98: {  	_ =	strace $0x8FFFFFFF  }
0x99: {  	s20 =	sld [smem:$0x3FDB];
	_ =	sdelay $0x1  }
0x9a: {  	s5 =	simm.s32 $_scs_section_size  }
0x9b: {  	s6 =	simm.s32 $_size__tile_overlayer_lowered;
	s7 =	simm.s32 $_tile_overlayer_lowered  }
0x9c: {  	s23 =	simm.s32 $0x1BFF;
	s22 =	sshll.u32 s7, $0x1;
	s4 =	sadd.s32 s5, s20  }
0x9d: {  	s8 =	simm.s32 $0x0;
	s21 =	sshll.u32 s6, $0x1;
	s6 =	sadd.s32 s22, s4  }
0x9e: {  	[timem:s8], [sflag:s23] =	dma.local [hbm:s6], s21  }
0x9f: {  	_ =	swait.ge [sflag:s23], s21  }
0xa0: {  	s5 =	ssub.s32 $0x0, s21;
	[sflag:s23] =	ssyncset.done $0x0  }
0xa1: {  	[sflag:s23] =	ssyncadd.s32 s5;
	_ =	sdelay $0x1  }
0xa2: {  	s24 =	simm.s32 $0x1B8B  }
0xa3: {  	_ =	swait.ge [sflag:s24], $0x1  }
0xa4: {  	[sflag:s24] =	ssyncset.done $0x0  }
0xa5: {  	s25 =	simm.s32 $0x1B8E;
	[sflag:s24] =	ssyncadd.s32 $0xFFFFFFFF  }
0xa6: {  	s26 =	simm.s32 $execute0_lowered;
	[smem:$0x3FD2] =	sst s25  }
0xa7: {  	s5 =	sshll.u32 s26, $0x1;
	_ =	strace $0x80000046;
	[dreg:$0x1] =	wrdreg $0xFFFFFFFF  }
0xa8: {  	s28 =	simm.s32 $_size_execute0_lowered;
	s4 =	sadd.s32 s4, s5;
	[dreg:$0x0] =	wrdreg $0x0  }
0xa9: {  	s5 =	sshll.u32 s28, $0x1;
	[dreg:$0x2] =	wrdreg s4  }
0xaa: {  	[dreg:$0x3] =	wrdreg s5  }
0xab: {  	[dreg:$0x4] =	wrdreg $0xC0  }
0xac: {  	_ =	task [dreg:s8], $0x5FFFF  }
0xad: {  	[dreg:$0x1] =	wrdreg $0xFFFFFFFF  }
0xae: {  	[dreg:$0x0] =	wrdreg $0x60  }
0xaf: {  	[dreg:$0x2] =	wrdreg s2  }
0xb0: {  	[dreg:$0x3] =	wrdreg s19  }
0xb1: {  	[dreg:$0x4] =	wrdreg $0x9  }
0xb2: {  	_ =	task.clear_ibuf [dreg:s8], $0x5FFFF;
	_ =	strace $0x90000046  }
0xb3: {  	s29 =	simm.s32 $0x9;
	_ =	strace $0x80000048  }
0xb4: {  	_ =	swait.ge [sflag:s29], $0x1  }
0xb5: {  	[sflag:s29] =	ssyncadd.s32 $0xFFFFFFFF  }
0xb6: {  	_ =	strace $0x90000048  }
0xb7: {  	_ =	sfence  }
0xb8: {  	s30 =	sld [smem:$0x0];
	_ =	sdelay $0x2  }
0xb9: {  	s31 =	sshll.u32 s1, $0xD;
	s1 =	sshrl.u32 s1, $0x2  }
0xba: {  	s3 =	sand.u32 $0x4000, s31;
	s1 =	sadd.s32 s1, s30  }
0xbb: {  	s0 =	sor.u32 s3, s0;
	s1 =	sshll.u32 s1, $0x11  }
0xbc: {  	s0 =	sor.u32 s1, s0  }
0xbd: {  	s0 =	sadd.s32 $0x8F2B, s0  }
0xbe: {  	[sflag:s0] =	ssyncadd.remote.s32 $0x1  }
0xbf: {  	_ =	sfence.sel $0xFFFF  }
0xc0: {  	[dreg:$0x0] =	wrdreg $0xFFFFFFFF;
	(pc) =	sbr.abs _section_cstart, $3  }
0xc1: {  	[dreg:$0x1] =	wrdreg $0xFFFFFFFF  }
0xc2: {  	_ =	task.clear_ibuf [dreg:s8], $0x2FFFF;
	_ =	strace $0x9FFFFFFF  }
0xc3: {  	(tm) =	ssettm $0x7FFFFFFF  }
tec
execute0_lowered:
.L_overlay_start_1:
0x0: {  	(tag) =	ssettag $0x1  }
0x1: {  	s21 =	rddreg [dreg:$0x0]  }
0x2: {  	s22 =	rddreg [dreg:$0x1];
	s2 =	srdreg.scid  }
0x3: {  	s0 =	rddreg [dreg:$0x2];
	s1 =	stileid.u32;
	s23 =	sand.u32 $0x1, s2  }
0x4: {  	s2 =	simm.s32 $0x0;
	s3 =	sshll.u32 s1, $0x10;
	s4 =	sshll.u32 s23, $0xF  }
0x5: {  	[smem:$0x7FF] =	sst s2;
	s24 =	sor.u32 s4, s3  }
0x6: {  	_ =	strace $0x80000047;
	s3 =	sadd.s32 s21, s24;
	s10 =	sor.u32 $0x1000, s24  }
0x7: {  	[tilespmem:s2], [sflag:$0x1] =	stream.linear.gather [hbm4b:s3+s2], $0x8000, $0x38;
	[tilespmem:$0x18000] =	vst v63  }
0x8: {  	s5 =	simm.s32 $0x8000;
	s11 =	sor.u32 $0x2000, s24;
	s4 =	sadd.s32 s21, s10  }
0x9: {  	[tilespmem:s5], [sflag:$0x1] =	stream.linear.gather [hbm4b:s4+s2], $0x8000, $0x38;
	[tilespmem:$0x18000] =	vst v63  }
0xa: {  	s7 =	simm.s32 $0x10000;
	s8 =	simm.s32 $0x1;
	s6 =	sadd.s32 s21, s11  }
0xb: {  	[tilespmem:s7], [sflag:$0x1] =	stream.linear.gather [hbm4b:s6+s2], $0x8000, $0x38;
	[tilespmem:$0x18000] =	vst v63  }
0xc: {  	_ =	swait.ge [sflag:s8], $0x8000  }
0xd: {  	[sflag:s8] =	ssyncset.done $0x0  }
0xe: {  	s9 =	sadd.s32 s22, s24;
	[sflag:s8] =	ssyncadd.s32 $0xFFFF8000  }
0xf: {  	[hbm4b:s9+s2] =	stream.linear.scatter [tilespmem:s2], [sflag:$0x2], $0x8000, $0x38;
	[tilespmem:$0x18000] =	vst v63  }
0x10: {  	_ =	swait.ge [sflag:s8], $0x8000  }
0x11: {  	[sflag:s8] =	ssyncset.done $0x0  }
0x12: {  	s10 =	sadd.s32 s22, s10;
	[sflag:s8] =	ssyncadd.s32 $0xFFFF8000  }
0x13: {  	[hbm4b:s10+s2] =	stream.linear.scatter [tilespmem:s5], [sflag:$0x2], $0x8000, $0x38;
	[tilespmem:$0x18000] =	vst v63  }
0x14: {  	_ =	swait.ge [sflag:s8], $0x8000  }
0x15: {  	[sflag:s8] =	ssyncset.done $0x0  }
0x16: {  	s12 =	sadd.s32 s22, s11;
	s11 =	simm.s32 $0x2;
	[sflag:s8] =	ssyncadd.s32 $0xFFFF8000  }
0x17: {  	[hbm4b:s12+s2] =	stream.linear.scatter [tilespmem:s7], [sflag:$0x2], $0x8000, $0x38;
	[tilespmem:$0x18000] =	vst v63  }
0x18: {  	_ =	swait.ge [sflag:s11], $0x8000  }
0x19: {  	s14 =	sor.u32 $0x3000, s24;
	[sflag:s11] =	ssyncset.done $0x0  }
0x1a: {  	s13 =	sadd.s32 s21, s14;
	[sflag:s11] =	ssyncadd.s32 $0xFFFF8000  }
0x1b: {  	[tilespmem:s2], [sflag:$0x1] =	stream.linear.gather [hbm4b:s13+s2], $0x8000, $0x38;
	[tilespmem:$0x18000] =	vst v63  }
0x1c: {  	_ =	swait.ge [sflag:s8], $0x8000  }
0x1d: {  	[sflag:s8] =	ssyncset.done $0x0  }
0x1e: {  	s14 =	sadd.s32 s22, s14;
	[sflag:s8] =	ssyncadd.s32 $0xFFFF8000  }
0x1f: {  	[hbm4b:s14+s2] =	stream.linear.scatter [tilespmem:s2], [sflag:$0x2], $0x8000, $0x38;
	[tilespmem:$0x18000] =	vst v63  }
0x20: {  	_ =	swait.ge [sflag:s11], $0x8000  }
0x21: {  	s16 =	sor.u32 $0x4000, s24;
	[sflag:s11] =	ssyncset.done $0x0  }
0x22: {  	s15 =	sadd.s32 s21, s16;
	[sflag:s11] =	ssyncadd.s32 $0xFFFF8000  }
0x23: {  	[tilespmem:s5], [sflag:$0x1] =	stream.linear.gather [hbm4b:s15+s2], $0x8000, $0x38;
	[tilespmem:$0x18000] =	vst v63  }
0x24: {  	_ =	swait.ge [sflag:s8], $0x8000  }
0x25: {  	[sflag:s8] =	ssyncset.done $0x0  }
0x26: {  	s16 =	sadd.s32 s22, s16;
	[sflag:s8] =	ssyncadd.s32 $0xFFFF8000  }
0x27: {  	[hbm4b:s16+s2] =	stream.linear.scatter [tilespmem:s5], [sflag:$0x2], $0x8000, $0x38;
	[tilespmem:$0x18000] =	vst v63  }
0x28: {  	_ =	swait.ge [sflag:s11], $0x8000  }
0x29: {  	s18 =	sor.u32 $0x5000, s24;
	[sflag:s11] =	ssyncset.done $0x0  }
0x2a: {  	s17 =	sadd.s32 s21, s18;
	[sflag:s11] =	ssyncadd.s32 $0xFFFF8000  }
0x2b: {  	[tilespmem:s7], [sflag:$0x1] =	stream.linear.gather [hbm4b:s17+s2], $0x8000, $0x38;
	[tilespmem:$0x18000] =	vst v63  }
0x2c: {  	_ =	swait.ge [sflag:s8], $0x8000  }
0x2d: {  	[sflag:s8] =	ssyncset.done $0x0  }
0x2e: {  	s18 =	sadd.s32 s22, s18;
	[sflag:s8] =	ssyncadd.s32 $0xFFFF8000  }
0x2f: {  	[hbm4b:s18+s2] =	stream.linear.scatter [tilespmem:s7], [sflag:$0x2], $0x8000, $0x38;
	[tilespmem:$0x18000] =	vst v63  }
0x30: {  	_ =	swait.ge [sflag:s11], $0x8000  }
0x31: {  	s20 =	sor.u32 $0x6000, s24;
	[sflag:s11] =	ssyncset.done $0x0  }
0x32: {  	s19 =	sadd.s32 s21, s20;
	[sflag:s11] =	ssyncadd.s32 $0xFFFF8000  }
0x33: {  	[tilespmem:s2], [sflag:$0x1] =	stream.linear.gather [hbm4b:s19+s2], $0x8000, $0x38;
	[tilespmem:$0x18000] =	vst v63  }
0x34: {  	_ =	swait.ge [sflag:s8], $0x8000  }
0x35: {  	[sflag:s8] =	ssyncset.done $0x0  }
0x36: {  	s20 =	sadd.s32 s22, s20;
	[sflag:s8] =	ssyncadd.s32 $0xFFFF8000  }
0x37: {  	[hbm4b:s20+s2] =	stream.linear.scatter [tilespmem:s2], [sflag:$0x2], $0x8000, $0x38;
	[tilespmem:$0x18000] =	vst v63  }
0x38: {  	_ =	swait.ge [sflag:s11], $0x8000  }
0x39: {  	s24 =	sor.u32 $0x7000, s24;
	[sflag:s11] =	ssyncset.done $0x0  }
0x3a: {  	s21 =	sadd.s32 s21, s24;
	[sflag:s11] =	ssyncadd.s32 $0xFFFF8000  }
0x3b: {  	[tilespmem:s5], [sflag:$0x1] =	stream.linear.gather [hbm4b:s21+s2], $0x8000, $0x38;
	[tilespmem:$0x18000] =	vst v63  }
0x3c: {  	_ =	swait.ge [sflag:s8], $0x8000  }
0x3d: {  	s23 =	ssub.s32 $0x2, s23;
	[sflag:s8] =	ssyncset.done $0x0  }
0x3e: {  	s31 =	sshrl.u32 s23, $0x1;
	s22 =	sadd.s32 s22, s24;
	[sflag:s8] =	ssyncadd.s32 $0xFFFF8000  }
0x3f: {  	[hbm4b:s22+s2] =	stream.linear.scatter [tilespmem:s5], [sflag:$0x2], $0x8000, $0x38;
	[tilespmem:$0x18000] =	vst v63  }
0x40: {  	s23 =	ssub.s32 s23, s31;
	_ =	swait.ge [sflag:s11], $0x8000  }
0x41: {  	s23 =	smax.u32 s23, $0x1;
	[sflag:s11] =	ssyncset.done $0x0  }
0x42: {  	p0 =	sne.s32 s23, $0x1;
	[sflag:s11] =	ssyncadd.s32 $0xFFFF8000  }
.Ltmp0:
0x43: {  	_ =	swait.ge [sflag:s11], $0x8000;
	(pc) =	sbr.rel @!p0 .LBB2_2-.Ltmp0, $4  }
0x44: {  	[sflag:s11] =	ssyncset.done $0x0  }
0x45: {  	[sflag:s11] =	ssyncadd.s32 $0xFFFF8000  }
0x46: {  	_ =	swait.ge [sflag:s11], $0x8000  }
0x47: {  	s23 =	sadd.s32 $0xFFFFFFFF, s23;
	[sflag:s11] =	ssyncset.done $0x0  }
.LBB2_1:
0x48: {  	p0 =	sne.s32 s23, $0x1;
	s23 =	sadd.s32 $0xFFFFFFFF, s23;
	[sflag:s11] =	ssyncadd.s32 $0xFFFF8000  }
0x49: {  	[tilespmem:s2], [sflag:$0x1] =	stream.linear.gather [hbm4b:s3+s2], $0x8000, $0x38;
	[tilespmem:$0x18000] =	vst v63  }
0x4a: {  	_ = 	snop  }
0x4b: {  	[tilespmem:s5], [sflag:$0x1] =	stream.linear.gather [hbm4b:s4+s2], $0x8000, $0x38;
	[tilespmem:$0x18000] =	vst v63  }
0x4c: {  	_ = 	snop  }
0x4d: {  	[tilespmem:s7], [sflag:$0x1] =	stream.linear.gather [hbm4b:s6+s2], $0x8000, $0x38;
	[tilespmem:$0x18000] =	vst v63  }
0x4e: {  	_ =	swait.ge [sflag:s8], $0x8000  }
0x4f: {  	[sflag:s8] =	ssyncset.done $0x0  }
0x50: {  	[sflag:s8] =	ssyncadd.s32 $0xFFFF8000  }
0x51: {  	[hbm4b:s9+s2] =	stream.linear.scatter [tilespmem:s2], [sflag:$0x2], $0x8000, $0x38;
	[tilespmem:$0x18000] =	vst v63  }
0x52: {  	_ =	swait.ge [sflag:s8], $0x8000  }
0x53: {  	[sflag:s8] =	ssyncset.done $0x0  }
0x54: {  	[sflag:s8] =	ssyncadd.s32 $0xFFFF8000  }
0x55: {  	[hbm4b:s10+s2] =	stream.linear.scatter [tilespmem:s5], [sflag:$0x2], $0x8000, $0x38;
	[tilespmem:$0x18000] =	vst v63  }
0x56: {  	_ =	swait.ge [sflag:s8], $0x8000  }
0x57: {  	[sflag:s8] =	ssyncset.done $0x0  }
0x58: {  	[sflag:s8] =	ssyncadd.s32 $0xFFFF8000  }
0x59: {  	[hbm4b:s12+s2] =	stream.linear.scatter [tilespmem:s7], [sflag:$0x2], $0x8000, $0x38;
	[tilespmem:$0x18000] =	vst v63  }
0x5a: {  	_ =	swait.ge [sflag:s11], $0x8000  }
0x5b: {  	[sflag:s11] =	ssyncset.done $0x0  }
0x5c: {  	[sflag:s11] =	ssyncadd.s32 $0xFFFF8000  }
0x5d: {  	[tilespmem:s2], [sflag:$0x1] =	stream.linear.gather [hbm4b:s13+s2], $0x8000, $0x38;
	[tilespmem:$0x18000] =	vst v63  }
0x5e: {  	_ =	swait.ge [sflag:s8], $0x8000  }
0x5f: {  	[sflag:s8] =	ssyncset.done $0x0  }
0x60: {  	[sflag:s8] =	ssyncadd.s32 $0xFFFF8000  }
0x61: {  	[hbm4b:s14+s2] =	stream.linear.scatter [tilespmem:s2], [sflag:$0x2], $0x8000, $0x38;
	[tilespmem:$0x18000] =	vst v63  }
0x62: {  	_ =	swait.ge [sflag:s11], $0x8000  }
0x63: {  	[sflag:s11] =	ssyncset.done $0x0  }
0x64: {  	[sflag:s11] =	ssyncadd.s32 $0xFFFF8000  }
0x65: {  	[tilespmem:s5], [sflag:$0x1] =	stream.linear.gather [hbm4b:s15+s2], $0x8000, $0x38;
	[tilespmem:$0x18000] =	vst v63  }
0x66: {  	_ =	swait.ge [sflag:s8], $0x8000  }
0x67: {  	[sflag:s8] =	ssyncset.done $0x0  }
0x68: {  	[sflag:s8] =	ssyncadd.s32 $0xFFFF8000  }
0x69: {  	[hbm4b:s16+s2] =	stream.linear.scatter [tilespmem:s5], [sflag:$0x2], $0x8000, $0x38;
	[tilespmem:$0x18000] =	vst v63  }
0x6a: {  	_ =	swait.ge [sflag:s11], $0x8000  }
0x6b: {  	[sflag:s11] =	ssyncset.done $0x0  }
0x6c: {  	[sflag:s11] =	ssyncadd.s32 $0xFFFF8000  }
0x6d: {  	[tilespmem:s7], [sflag:$0x1] =	stream.linear.gather [hbm4b:s17+s2], $0x8000, $0x38;
	[tilespmem:$0x18000] =	vst v63  }
0x6e: {  	_ =	swait.ge [sflag:s8], $0x8000  }
0x6f: {  	[sflag:s8] =	ssyncset.done $0x0  }
0x70: {  	[sflag:s8] =	ssyncadd.s32 $0xFFFF8000  }
0x71: {  	[hbm4b:s18+s2] =	stream.linear.scatter [tilespmem:s7], [sflag:$0x2], $0x8000, $0x38;
	[tilespmem:$0x18000] =	vst v63  }
0x72: {  	_ =	swait.ge [sflag:s11], $0x8000  }
0x73: {  	[sflag:s11] =	ssyncset.done $0x0  }
0x74: {  	[sflag:s11] =	ssyncadd.s32 $0xFFFF8000  }
0x75: {  	[tilespmem:s2], [sflag:$0x1] =	stream.linear.gather [hbm4b:s19+s2], $0x8000, $0x38;
	[tilespmem:$0x18000] =	vst v63  }
0x76: {  	_ =	swait.ge [sflag:s8], $0x8000  }
0x77: {  	[sflag:s8] =	ssyncset.done $0x0  }
0x78: {  	[sflag:s8] =	ssyncadd.s32 $0xFFFF8000  }
0x79: {  	[hbm4b:s20+s2] =	stream.linear.scatter [tilespmem:s2], [sflag:$0x2], $0x8000, $0x38;
	[tilespmem:$0x18000] =	vst v63  }
0x7a: {  	_ =	swait.ge [sflag:s11], $0x8000  }
0x7b: {  	[sflag:s11] =	ssyncset.done $0x0  }
0x7c: {  	[sflag:s11] =	ssyncadd.s32 $0xFFFF8000  }
0x7d: {  	[tilespmem:s5], [sflag:$0x1] =	stream.linear.gather [hbm4b:s21+s2], $0x8000, $0x38;
	[tilespmem:$0x18000] =	vst v63  }
0x7e: {  	_ =	swait.ge [sflag:s8], $0x8000  }
0x7f: {  	[sflag:s8] =	ssyncset.done $0x0  }
0x80: {  	[sflag:s8] =	ssyncadd.s32 $0xFFFF8000  }
0x81: {  	[hbm4b:s22+s2] =	stream.linear.scatter [tilespmem:s5], [sflag:$0x2], $0x8000, $0x38;
	[tilespmem:$0x18000] =	vst v63  }
0x82: {  	_ =	swait.ge [sflag:s11], $0x8000  }
0x83: {  	[sflag:s11] =	ssyncset.done $0x0  }
0x84: {  	[sflag:s11] =	ssyncadd.s32 $0xFFFF8000  }
.Ltmp1:
0x85: {  	_ =	swait.ge [sflag:s11], $0x8000;
	(pc) =	sbr.rel @p0 .LBB2_1-.Ltmp1, $4  }
0x86: {  	[sflag:s11] =	ssyncset.done $0x0  }
0x87: {  	[sflag:s11] =	ssyncadd.s32 $0xFFFF8000  }
0x88: {  	_ =	swait.ge [sflag:s11], $0x8000  }
0x89: {  	[sflag:s11] =	ssyncset.done $0x0  }
.LBB2_2:
0x8a: {  	[sflag:s11] =	ssyncadd.s32 $0xFFFF8000  }
0x8b: {  	_ =	sfence.sel $0x180000  }
0x8c: {  	[bflag:$0x0] =	sbarrier.arrive $0xFFFF  }
0x8d: {  	p0 =	sne.s32 s1, $0x0;
	_ =	strace $0x90000047  }
0x8e: {  	s0 =	sadd.s32 @!p0 $0x100000, s0;
	[bflag:$0x2] =	sbarrier.arrive $0xFFFF  }
0x8f: {  	[sflag:s0] =	ssyncadd.tile.s32 @!p0 $0x1;
	_ =	shalt  }
.Lfunc_end2:
_tile_overlayer_lowered:
.L_overlay_start_2:
0x90: {  	(tag) =	ssettag $0x2  }
0x91: {  	s0 =	rddreg [dreg:$0x0];
	s2 =	stileid.u32  }
0x92: {  	s1 =	rddreg [dreg:$0x1];
	p0 =	sne.s32 s2, $0x0  }
0x93: {  	s3 =	rddreg [dreg:$0x2];
	[bflag:$0x3] =	sbarrier.arrive $0xFFFF;
	s2 =	simm.s32 @!p0 $0x1C03  }
0x94: {  	[timem:s3], [sflag:s2] =	dma.local @!p0 [hbm:s0], s1  }
0x95: {  	s0 =	simm.s32 @!p0 $0x3  }
0x96: {  	_ =	swait.ge @!p0 [sflag:s0], s1  }
0x97: {  	s1 =	ssub.s32 @!p0 $0x0, s1;
	[sflag:s0] =	ssyncset.done @!p0 $0x0  }
0x98: {  	[sflag:s0] =	ssyncadd.s32 @!p0 s1  }
0x99: {  	[bflag:$0x3] =	sbarrier.arrive $0xFFFF  }
0x9a: {  	_ =	shalt  }

</sc_bundles>
